<compile_context>
chip_gen: v7x
topology: tpu7x:2x2x1
jax: 0.10.2.dev20260603
libtpu: 0.0.44.dev20260713+nightly
codegen_flags: <defaults>
</compile_context>

<pallas_src>
import functools

import jax
import jax.numpy as jnp
from jax import lax
from jax.experimental import pallas as pl
from jax.experimental.pallas import tpu as pltpu
from jax.experimental.pallas import tpu_sc as plsc

N = 10000
E = 160000
D = 256
NC = 2
NS = 16
CHUNK = 128
ACC_ROWS = 10240
E_PAD = 163840
STRIPE = ACC_ROWS // NS
LAST_STRIPE = N - (NS - 1) * STRIPE
ROWS_PT = E_PAD // NS // CHUNK
ROWS_PT_DEG = E_PAD // (NC * NS) // CHUNK
EPS = 1e-5
RB = 400
GRID = N // RB

_mesh = plsc.VectorSubcoreMesh(core_axis_name="c", subcore_axis_name="s")


def _deg_body(dst2d, out, idx_v, ones_v, zero_v, acc):
    c = lax.axis_index("c")
    s = lax.axis_index("s")
    z16 = jnp.zeros((16,), jnp.float32)
    o16 = jnp.ones((16,), jnp.float32)

    def fill(r, _):
        zero_v[r] = z16
        ones_v[r] = o16
        return 0

    lax.fori_loop(0, CHUNK, fill, 0)
    for j in range(STRIPE // CHUNK):
        pltpu.sync_copy(zero_v, acc.at[pl.ds(s * STRIPE + j * CHUNK, CHUNK)])
    wid = c * NS + s
    pltpu.sync_copy(dst2d.at[pl.ds(wid * ROWS_PT_DEG, ROWS_PT_DEG)], idx_v)
    plsc.subcore_barrier()

    def body(j, _):
        pltpu.sync_copy(ones_v, acc.at[idx_v.at[j]], add=True)
        return 0

    lax.fori_loop(0, ROWS_PT_DEG, body, 0)
    plsc.subcore_barrier()

    @pl.when(s < NS - 1)
    def _w():
        pltpu.sync_copy(acc.at[pl.ds(s * STRIPE, STRIPE)],
                        out.at[c, pl.ds(s * STRIPE, STRIPE)])

    @pl.when(s == NS - 1)
    def _wl():
        pltpu.sync_copy(acc.at[pl.ds((NS - 1) * STRIPE, LAST_STRIPE)],
                        out.at[c, pl.ds((NS - 1) * STRIPE, LAST_STRIPE)])


_deg_kernel = functools.partial(
    pl.kernel,
    out_type=jax.ShapeDtypeStruct((NC, N, 16), jnp.float32),
    mesh=_mesh,
    scratch_types=[
        pltpu.VMEM((ROWS_PT_DEG, CHUNK), jnp.int32),
        pltpu.VMEM((CHUNK, 16), jnp.float32),
        pltpu.VMEM((CHUNK, 16), jnp.float32),
        pltpu.VMEM_SHARED((ACC_ROWS, 16), jnp.float32),
    ],
)(_deg_body)


def _scat_body(ycat, src2d, dst2d, out, src_v, dst_v, gbuf, acc, sem):
    c = lax.axis_index("c")
    s = lax.axis_index("s")
    z16 = jnp.zeros((16,), jnp.float32)

    def zrow(r, _):
        for k in range(CHUNK // 16):
            gbuf[r, pl.ds(k * 16, 16)] = z16
        return 0

    lax.fori_loop(0, CHUNK, zrow, 0)
    for j in range(STRIPE // CHUNK):
        pltpu.sync_copy(gbuf, acc.at[pl.ds(s * STRIPE + j * CHUNK, CHUNK)])
    pltpu.sync_copy(src2d.at[pl.ds(s * ROWS_PT, ROWS_PT)], src_v)
    pltpu.sync_copy(dst2d.at[pl.ds(s * ROWS_PT, ROWS_PT)], dst_v)

    offv = jnp.broadcast_to(c * N, (16,)).astype(jnp.int32)

    def addoff(r, _):
        for k in range(CHUNK // 16):
            src_v[r, pl.ds(k * 16, 16)] += offv
        return 0

    lax.fori_loop(0, ROWS_PT, addoff, 0)
    plsc.subcore_barrier()

    def body(j, _):
        pltpu.async_copy(ycat.at[src_v.at[j]], gbuf, sem).wait()
        pltpu.sync_copy(gbuf, acc.at[dst_v.at[j]], add=True)
        return 0

    lax.fori_loop(0, ROWS_PT, body, 0)
    plsc.subcore_barrier()

    @pl.when(s < NS - 1)
    def _w():
        pltpu.sync_copy(acc.at[pl.ds(s * STRIPE, STRIPE)],
                        out.at[c, pl.ds(s * STRIPE, STRIPE)])

    @pl.when(s == NS - 1)
    def _wl():
        pltpu.sync_copy(acc.at[pl.ds((NS - 1) * STRIPE, LAST_STRIPE)],
                        out.at[c, pl.ds((NS - 1) * STRIPE, LAST_STRIPE)])


_scat_kernel = functools.partial(
    pl.kernel,
    out_type=jax.ShapeDtypeStruct((NC, N, 128), jnp.float32),
    mesh=_mesh,
    scratch_types=[
        pltpu.VMEM((ROWS_PT, CHUNK), jnp.int32),
        pltpu.VMEM((ROWS_PT, CHUNK), jnp.int32),
        pltpu.VMEM((CHUNK, 128), jnp.float32),
        pltpu.VMEM_SHARED((ACC_ROWS, 128), jnp.float32),
        pltpu.SemaphoreType.DMA,
    ],
)(_scat_body)


def _dinv_block(draw_ref, i):
    d = draw_ref[0, pl.ds(i * RB, RB), :] + draw_ref[1, pl.ds(i * RB, RB), :]
    return lax.rsqrt(d[:, 0:1] + 1.0)


def _stack_halves(y):
    return jnp.stack([y[:, :128], y[:, 128:]], axis=0)


def _tc1_body(x_ref, w_ref, draw_ref, y_ref):
    i = pl.program_id(0)
    dinv = _dinv_block(draw_ref, i)
    y = jnp.dot(x_ref[...], w_ref[...], preferred_element_type=jnp.float32) * dinv
    y_ref[...] = _stack_halves(y)


_tc1 = pl.pallas_call(
    _tc1_body,
    grid=(GRID,),
    in_specs=[
        pl.BlockSpec((RB, D), lambda i: (i, 0)),
        pl.BlockSpec((D, D), lambda i: (0, 0)),
        pl.BlockSpec((NC, N, 16), lambda i: (0, 0, 0)),
    ],
    out_specs=pl.BlockSpec((2, RB, 128), lambda i: (0, i, 0)),
    out_shape=jax.ShapeDtypeStruct((2, N, 128), jnp.float32),
)


def _conv_out_block(acc_ref, y_ref, b_ref, dinv):
    o = jnp.concatenate([acc_ref[0] + y_ref[0], acc_ref[1] + y_ref[1]], axis=1)
    return o * dinv + b_ref[...]


def _tc2a_body(acc_ref, y_ref, draw_ref, b_ref, st_ref):
    i = pl.program_id(0)
    o = _conv_out_block(acc_ref, y_ref, b_ref, _dinv_block(draw_ref, i))
    st = jnp.concatenate([jnp.sum(o, axis=0, keepdims=True),
                          jnp.sum(o * o, axis=0, keepdims=True),
                          jnp.zeros((6, D), jnp.float32)], axis=0)

    @pl.when(i == 0)
    def _z():
        st_ref[...] = jnp.zeros_like(st_ref)

    st_ref[...] += st


_tc2a = pl.pallas_call(
    _tc2a_body,
    grid=(GRID,),
    in_specs=[
        pl.BlockSpec((NC, RB, 128), lambda i: (0, i, 0)),
        pl.BlockSpec((2, RB, 128), lambda i: (0, i, 0)),
        pl.BlockSpec((NC, N, 16), lambda i: (0, 0, 0)),
        pl.BlockSpec((1, D), lambda i: (0, 0)),
    ],
    out_specs=pl.BlockSpec((8, D), lambda i: (0, 0)),
    out_shape=jax.ShapeDtypeStruct((8, D), jnp.float32),
)


def _tc2b_body(acc_ref, y_ref, draw_ref, b_ref, st_ref, g_ref, be_ref, y2_ref):
    i = pl.program_id(0)
    dinv = _dinv_block(draw_ref, i)
    o = _conv_out_block(acc_ref, y_ref, b_ref, dinv)
    mean = st_ref[0:1, :] * (1.0 / N)
    var = st_ref[1:2, :] * (1.0 / N) - mean * mean
    h = g_ref[...] * ((o - mean) * lax.rsqrt(var + EPS)) + be_ref[...]
    h = jnp.maximum(h, 0.0)
    y2_ref[...] = _stack_halves(h * dinv)


_tc2b = pl.pallas_call(
    _tc2b_body,
    grid=(GRID,),
    in_specs=[
        pl.BlockSpec((NC, RB, 128), lambda i: (0, i, 0)),
        pl.BlockSpec((2, RB, 128), lambda i: (0, i, 0)),
        pl.BlockSpec((NC, N, 16), lambda i: (0, 0, 0)),
        pl.BlockSpec((1, D), lambda i: (0, 0)),
        pl.BlockSpec((8, D), lambda i: (0, 0)),
        pl.BlockSpec((1, D), lambda i: (0, 0)),
        pl.BlockSpec((1, D), lambda i: (0, 0)),
    ],
    out_specs=pl.BlockSpec((2, RB, 128), lambda i: (0, i, 0)),
    out_shape=jax.ShapeDtypeStruct((2, N, 128), jnp.float32),
)


def _tc3_body(acc_ref, y2_ref, draw_ref, wmu_ref, bmu_ref, wlv_ref, blv_ref,
              mu_ref, lv_ref):
    i = pl.program_id(0)
    dinv = _dinv_block(draw_ref, i)
    sfull = jnp.concatenate([acc_ref[0] + y2_ref[0], acc_ref[1] + y2_ref[1]],
                            axis=1) * dinv
    mu_ref[...] = jnp.dot(sfull, wmu_ref[...],
                          preferred_element_type=jnp.float32) + bmu_ref[...]
    lv_ref[...] = jnp.dot(sfull, wlv_ref[...],
                          preferred_element_type=jnp.float32) + blv_ref[...]


_tc3 = pl.pallas_call(
    _tc3_body,
    grid=(GRID,),
    in_specs=[
        pl.BlockSpec((NC, RB, 128), lambda i: (0, i, 0)),
        pl.BlockSpec((2, RB, 128), lambda i: (0, i, 0)),
        pl.BlockSpec((NC, N, 16), lambda i: (0, 0, 0)),
        pl.BlockSpec((D, 128), lambda i: (0, 0)),
        pl.BlockSpec((1, 128), lambda i: (0, 0)),
        pl.BlockSpec((D, 128), lambda i: (0, 0)),
        pl.BlockSpec((1, 128), lambda i: (0, 0)),
    ],
    out_specs=[pl.BlockSpec((RB, 128), lambda i: (i, 0)),
               pl.BlockSpec((RB, 128), lambda i: (i, 0))],
    out_shape=(jax.ShapeDtypeStruct((N, 128), jnp.float32),
               jax.ShapeDtypeStruct((N, 128), jnp.float32)),
)


def kernel(x, edge_index, W1, b1, gamma, beta, Wmu, bmu, Wlv, blv):
    src = edge_index[0].astype(jnp.int32)
    dst = edge_index[1].astype(jnp.int32)
    srcp = jnp.concatenate([src, jnp.zeros((E_PAD - E,), jnp.int32)])
    dstp = jnp.concatenate([dst, jnp.full((E_PAD - E,), N, jnp.int32)])
    src2d = srcp.reshape(E_PAD // CHUNK, CHUNK)
    dst2d = dstp.reshape(E_PAD // CHUNK, CHUNK)

    b1r = b1.reshape(1, D)
    gr = gamma.reshape(1, D)
    ber = beta.reshape(1, D)

    draw = _deg_kernel(dst2d)
    ycat = _tc1(x, W1, draw)
    acc = _scat_kernel(ycat.reshape(2 * N, 128), src2d, dst2d)
    stats = _tc2a(acc, ycat, draw, b1r)
    y2cat = _tc2b(acc, ycat, draw, b1r, stats, gr, ber)
    acc2 = _scat_kernel(y2cat.reshape(2 * N, 128), src2d, dst2d)
    mu, lv = _tc3(acc2, y2cat, draw, Wmu, bmu.reshape(1, 128),
                  Wlv, blv.reshape(1, 128))
    return (mu, lv)

# --- scband reference (transcript-rebuilt; emitter-appended) ---
"""Pipeline reference for scband-graph-encoder-28535762715202 (READ-ONLY COPY).

The authoritative reference and input builder live on the scoring server;
editing this copy changes nothing except your own understanding.
"""

import jax, jax.numpy as jnp
import numpy as np

N_NODES = 10000
EPS = 1e-5


def gcn_conv(x, edge_index, W, b):
    n = x.shape[0]
    src = edge_index[0]
    dst = edge_index[1]
    loop = jnp.arange(n, dtype=src.dtype)
    src = jnp.concatenate([src, loop])
    dst = jnp.concatenate([dst, loop])
    deg = jnp.zeros((n,), dtype=x.dtype).at[dst].add(1.0)
    dinv = jnp.where(deg > 0, deg ** -0.5, 0.0)
    norm = dinv[src] * dinv[dst]
    xw = x @ W
    msgs = jnp.take(xw, src, axis=0) * norm[:, None]
    out = jnp.zeros((n, W.shape[1]), dtype=x.dtype).at[dst].add(msgs)
    return out + b


def batch_norm(x, gamma, beta):
    mean = jnp.mean(x, axis=0)
    var = jnp.mean((x - mean) ** 2, axis=0)
    xhat = (x - mean) / jnp.sqrt(var + EPS)
    return gamma * xhat + beta


def setup_inputs(seed: int = 0) -> dict:
    key = jax.random.key(seed)
    ks = jax.random.split(key, 10)
    x = jax.random.normal(ks[0], (N_NODES, 256), dtype=jnp.float32)
    edge_index = jax.random.randint(ks[1], (2, 160000), 0, N_NODES, dtype=jnp.int64) if jax.config.read('jax_enable_x64') else jax.random.randint(ks[1], (2, 160000), 0, N_NODES).astype(jnp.int32)
    W1 = jax.random.normal(ks[2], (256, 256), dtype=jnp.float32) * (1.0 / np.sqrt(256))
    b1 = jnp.zeros((256,), dtype=jnp.float32)
    gamma = jnp.ones((256,), dtype=jnp.float32)
    beta = jnp.zeros((256,), dtype=jnp.float32)
    Wmu = jax.random.normal(ks[3], (256, 128), dtype=jnp.float32) * (1.0 / np.sqrt(256))
    bmu = jnp.zeros((128,), dtype=jnp.float32)
    Wlv = jax.random.normal(ks[4], (256, 128), dtype=jnp.float32) * (1.0 / np.sqrt(256))
    blv = jnp.zeros((128,), dtype=jnp.float32)
    return {"x": x, "edge_index": edge_index, "W1": W1, "b1": b1, "gamma": gamma, "beta": beta, "Wmu": Wmu, "bmu": bmu, "Wlv": Wlv, "blv": blv}


def reference(x, edge_index, W1, b1, gamma, beta, Wmu, bmu, Wlv, blv):
    h = gcn_conv(x, edge_index, W1, b1)
    h = batch_norm(h, gamma, beta)
    h = jax.nn.relu(h)
    mu = gcn_conv(h, edge_index, Wmu, bmu)
    logvar = gcn_conv(h, edge_index, Wlv, blv)
    return (mu, logvar)

if __name__ == "__main__":
    import jax
    _d = setup_inputs()
    print(jax.jit(kernel)(*tuple(_d.values())))

</pallas_src>

<mosaic_0001>
#map = affine_map<(d0, d1) -> (0, 0)>
#map1 = affine_map<(d0, d1) -> (0, 0, 0)>
module attributes {stable_mosaic.version = 14 : i64} {
  func.func @_scat_body(%arg0: i32, %arg1: i32, %arg2: memref<20000x128xf32, #tpu.memory_space<hbm>>, %arg3: memref<1280x128xi32, #tpu.memory_space<hbm>>, %arg4: memref<1280x128xi32, #tpu.memory_space<hbm>>, %arg5: memref<2x10000x128xf32, #tpu.memory_space<hbm>>, %arg6: memref<80x128xi32, #tpu.memory_space<vmem>>, %arg7: memref<80x128xi32, #tpu.memory_space<vmem>>, %arg8: memref<128x128xf32, #tpu.memory_space<vmem>>, %arg9: memref<10240x128xf32, #tpu.memory_space<vmem_shared>>, %arg10: memref<!tpu.dma_semaphore, #tpu.memory_space<semaphore_mem>>) attributes {dimension_semantics = [#tpu.dimension_semantics<core_parallel>, #tpu.dimension_semantics<subcore_parallel>], iteration_bounds = array<i64: 2, 16>, scalar_prefetch = 0 : i64, scratch_operands = 5 : i64, tpu.core_type = #tpu.core_type<sc_vector_subcore>, window_params = [{transform_indices = #map}, {transform_indices = #map}, {transform_indices = #map}, {transform_indices = #map1}]} {
    %broadcast_in_dim3A = arith.constant 0.000000e+00 : f32
    %broadcast_in_dim3A_0 = vector.broadcast %broadcast_in_dim3A : f32 to vector<16xf32>
    %scan3A = arith.constant 0 : i32
    %scan3A_1 = arith.constant 0 : i32
    %scan3A_2 = arith.constant 128 : i32
    %scan3A_3 = arith.addi %scan3A_1, %scan3A_2 : i32
    %scan3A_4 = arith.constant 1 : i32
    %scan3A_5 = scf.for %scan3A_53 = %scan3A_1 to %scan3A_3 step %scan3A_4 iter_args(%scan3A_54 = %scan3A) -> (i32)  : i32 {
      %swap3A = arith.index_cast %scan3A_53 : i32 to index
      %swap3A_55 = arith.constant 0 : index
      %swap3A_56 = tpu.vector_load %arg8[%swap3A, %swap3A_55] {strides = array<i32>} : memref<128x128xf32, #tpu.memory_space<vmem>>, vector<1x16xf32>,
      %swap3A_57 = vector.shape_cast %swap3A_56 : vector<1x16xf32> to vector<16xf32>
      %swap3A_58 = vector.shape_cast %broadcast_in_dim3A_0 : vector<16xf32> to vector<1x16xf32>
      tpu.vector_store %arg8[%swap3A, %swap3A_55], %swap3A_58 {strides = array<i32>} : memref<128x128xf32, #tpu.memory_space<vmem>>, vector<1x16xf32>,
      %swap3A_59 = arith.index_cast %scan3A_53 : i32 to index
      %swap3A_60 = arith.constant 16 : index
      %swap3A_61 = tpu.vector_load %arg8[%swap3A_59, %swap3A_60] {strides = array<i32>} : memref<128x128xf32, #tpu.memory_space<vmem>>, vector<1x16xf32>,
      %swap3A_62 = vector.shape_cast %swap3A_61 : vector<1x16xf32> to vector<16xf32>
      %swap3A_63 = vector.shape_cast %broadcast_in_dim3A_0 : vector<16xf32> to vector<1x16xf32>
      tpu.vector_store %arg8[%swap3A_59, %swap3A_60], %swap3A_63 {strides = array<i32>} : memref<128x128xf32, #tpu.memory_space<vmem>>, vector<1x16xf32>,
      %swap3A_64 = arith.index_cast %scan3A_53 : i32 to index
      %swap3A_65 = arith.constant 32 : index
      %swap3A_66 = tpu.vector_load %arg8[%swap3A_64, %swap3A_65] {strides = array<i32>} : memref<128x128xf32, #tpu.memory_space<vmem>>, vector<1x16xf32>,
      %swap3A_67 = vector.shape_cast %swap3A_66 : vector<1x16xf32> to vector<16xf32>
      %swap3A_68 = vector.shape_cast %broadcast_in_dim3A_0 : vector<16xf32> to vector<1x16xf32>
      tpu.vector_store %arg8[%swap3A_64, %swap3A_65], %swap3A_68 {strides = array<i32>} : memref<128x128xf32, #tpu.memory_space<vmem>>, vector<1x16xf32>,
      %swap3A_69 = arith.index_cast %scan3A_53 : i32 to index
      %swap3A_70 = arith.constant 48 : index
      %swap3A_71 = tpu.vector_load %arg8[%swap3A_69, %swap3A_70] {strides = array<i32>} : memref<128x128xf32, #tpu.memory_space<vmem>>, vector<1x16xf32>,
      %swap3A_72 = vector.shape_cast %swap3A_71 : vector<1x16xf32> to vector<16xf32>
      %swap3A_73 = vector.shape_cast %broadcast_in_dim3A_0 : vector<16xf32> to vector<1x16xf32>
      tpu.vector_store %arg8[%swap3A_69, %swap3A_70], %swap3A_73 {strides = array<i32>} : memref<128x128xf32, #tpu.memory_space<vmem>>, vector<1x16xf32>,
      %swap3A_74 = arith.index_cast %scan3A_53 : i32 to index
      %swap3A_75 = arith.constant 64 : index
      %swap3A_76 = tpu.vector_load %arg8[%swap3A_74, %swap3A_75] {strides = array<i32>} : memref<128x128xf32, #tpu.memory_space<vmem>>, vector<1x16xf32>,
      %swap3A_77 = vector.shape_cast %swap3A_76 : vector<1x16xf32> to vector<16xf32>
      %swap3A_78 = vector.shape_cast %broadcast_in_dim3A_0 : vector<16xf32> to vector<1x16xf32>
      tpu.vector_store %arg8[%swap3A_74, %swap3A_75], %swap3A_78 {strides = array<i32>} : memref<128x128xf32, #tpu.memory_space<vmem>>, vector<1x16xf32>,
      %swap3A_79 = arith.index_cast %scan3A_53 : i32 to index
      %swap3A_80 = arith.constant 80 : index
      %swap3A_81 = tpu.vector_load %arg8[%swap3A_79, %swap3A_80] {strides = array<i32>} : memref<128x128xf32, #tpu.memory_space<vmem>>, vector<1x16xf32>,
      %swap3A_82 = vector.shape_cast %swap3A_81 : vector<1x16xf32> to vector<16xf32>
      %swap3A_83 = vector.shape_cast %broadcast_in_dim3A_0 : vector<16xf32> to vector<1x16xf32>
      tpu.vector_store %arg8[%swap3A_79, %swap3A_80], %swap3A_83 {strides = array<i32>} : memref<128x128xf32, #tpu.memory_space<vmem>>, vector<1x16xf32>,
      %swap3A_84 = arith.index_cast %scan3A_53 : i32 to index
      %swap3A_85 = arith.constant 96 : index
      %swap3A_86 = tpu.vector_load %arg8[%swap3A_84, %swap3A_85] {strides = array<i32>} : memref<128x128xf32, #tpu.memory_space<vmem>>, vector<1x16xf32>,
      %swap3A_87 = vector.shape_cast %swap3A_86 : vector<1x16xf32> to vector<16xf32>
      %swap3A_88 = vector.shape_cast %broadcast_in_dim3A_0 : vector<16xf32> to vector<1x16xf32>
      tpu.vector_store %arg8[%swap3A_84, %swap3A_85], %swap3A_88 {strides = array<i32>} : memref<128x128xf32, #tpu.memory_space<vmem>>, vector<1x16xf32>,
      %swap3A_89 = arith.index_cast %scan3A_53 : i32 to index
      %swap3A_90 = arith.constant 112 : index
      %swap3A_91 = tpu.vector_load %arg8[%swap3A_89, %swap3A_90] {strides = array<i32>} : memref<128x128xf32, #tpu.memory_space<vmem>>, vector<1x16xf32>,
      %swap3A_92 = vector.shape_cast %swap3A_91 : vector<1x16xf32> to vector<16xf32>
      %swap3A_93 = vector.shape_cast %broadcast_in_dim3A_0 : vector<16xf32> to vector<1x16xf32>
      tpu.vector_store %arg8[%swap3A_89, %swap3A_90], %swap3A_93 {strides = array<i32>} : memref<128x128xf32, #tpu.memory_space<vmem>>, vector<1x16xf32>,
      %scan3A_94 = arith.constant 0 : i32
      scf.yield %scan3A_94 : i32
    }
    %scan3A_6 = arith.constant 128 : i32
    %mul3A = arith.constant 640 : i32
    %mul3A_7 = arith.muli %arg1, %mul3A : i32
    %add3A = arith.constant 0 : i32
    %add3A_8 = arith.addi %mul3A_7, %add3A : i32
    "tpu.region"() ({
      %run_scoped3A = tpu.sem_alloc : memref<!tpu.dma_semaphore, #tpu.memory_space<semaphore_mem>>
      %dma_start3A = arith.constant 0 : i32
      %dma_start3A_53 = tpu.memref_slice %arg9[%add3A_8, %dma_start3A] : memref<10240x128xf32, #tpu.memory_space<vmem_shared>> -> memref<128x128xf32, #tpu.memory_space<vmem_shared>>
      %dma_start3A_54 = arith.constant 0 : i32
      %dma_start3A_55 = tpu.memref_slice %arg9[%add3A_8, %dma_start3A_54] : memref<10240x128xf32, #tpu.memory_space<vmem_shared>> -> memref<128x128xf32, #tpu.memory_space<vmem_shared>>
      tpu.enqueue_dma source(%arg8 : memref<128x128xf32, #tpu.memory_space<vmem>>) target(%dma_start3A_55 : memref<128x128xf32, #tpu.memory_space<vmem_shared>>) target_semaphore(%run_scoped3A : memref<!tpu.dma_semaphore, #tpu.memory_space<semaphore_mem>>)
      %dma_wait3A = arith.constant 0 : i32
      %dma_wait3A_56 = tpu.memref_slice %arg9[%add3A_8, %dma_wait3A] : memref<10240x128xf32, #tpu.memory_space<vmem_shared>> -> memref<128x128xf32, #tpu.memory_space<vmem_shared>>
      %dma_wait3A_57 = arith.constant 0 : i32
      %dma_wait3A_58 = tpu.memref_slice %arg9[%add3A_8, %dma_wait3A_57] : memref<10240x128xf32, #tpu.memory_space<vmem_shared>> -> memref<128x128xf32, #tpu.memory_space<vmem_shared>>
      tpu.wait_dma2 semaphore(%run_scoped3A : memref<!tpu.dma_semaphore, #tpu.memory_space<semaphore_mem>>) src(%arg8 : memref<128x128xf32, #tpu.memory_space<vmem>>) dst(%dma_wait3A_58 : memref<128x128xf32, #tpu.memory_space<vmem_shared>>)
      tpu.yield
    }) : () -> ()
    %mul3A_9 = arith.constant 640 : i32
    %mul3A_10 = arith.muli %arg1, %mul3A_9 : i32
    %add3A_11 = arith.constant 128 : i32
    %add3A_12 = arith.addi %mul3A_10, %add3A_11 : i32
    "tpu.region"() ({
      %run_scoped3A = tpu.sem_alloc : memref<!tpu.dma_semaphore, #tpu.memory_space<semaphore_mem>>
      %dma_start3A = arith.constant 0 : i32
      %dma_start3A_53 = tpu.memref_slice %arg9[%add3A_12, %dma_start3A] : memref<10240x128xf32, #tpu.memory_space<vmem_shared>> -> memref<128x128xf32, #tpu.memory_space<vmem_shared>>
      %dma_start3A_54 = arith.constant 0 : i32
      %dma_start3A_55 = tpu.memref_slice %arg9[%add3A_12, %dma_start3A_54] : memref<10240x128xf32, #tpu.memory_space<vmem_shared>> -> memref<128x128xf32, #tpu.memory_space<vmem_shared>>
      tpu.enqueue_dma source(%arg8 : memref<128x128xf32, #tpu.memory_space<vmem>>) target(%dma_start3A_55 : memref<128x128xf32, #tpu.memory_space<vmem_shared>>) target_semaphore(%run_scoped3A : memref<!tpu.dma_semaphore, #tpu.memory_space<semaphore_mem>>)
      %dma_wait3A = arith.constant 0 : i32
      %dma_wait3A_56 = tpu.memref_slice %arg9[%add3A_12, %dma_wait3A] : memref<10240x128xf32, #tpu.memory_space<vmem_shared>> -> memref<128x128xf32, #tpu.memory_space<vmem_shared>>
      %dma_wait3A_57 = arith.constant 0 : i32
      %dma_wait3A_58 = tpu.memref_slice %arg9[%add3A_12, %dma_wait3A_57] : memref<10240x128xf32, #tpu.memory_space<vmem_shared>> -> memref<128x128xf32, #tpu.memory_space<vmem_shared>>
      tpu.wait_dma2 semaphore(%run_scoped3A : memref<!tpu.dma_semaphore, #tpu.memory_space<semaphore_mem>>) src(%arg8 : memref<128x128xf32, #tpu.memory_space<vmem>>) dst(%dma_wait3A_58 : memref<128x128xf32, #tpu.memory_space<vmem_shared>>)
      tpu.yield
    }) : () -> ()
    %mul3A_13 = arith.constant 640 : i32
    %mul3A_14 = arith.muli %arg1, %mul3A_13 : i32
    %add3A_15 = arith.constant 256 : i32
    %add3A_16 = arith.addi %mul3A_14, %add3A_15 : i32
    "tpu.region"() ({
      %run_scoped3A = tpu.sem_alloc : memref<!tpu.dma_semaphore, #tpu.memory_space<semaphore_mem>>
      %dma_start3A = arith.constant 0 : i32
      %dma_start3A_53 = tpu.memref_slice %arg9[%add3A_16, %dma_start3A] : memref<10240x128xf32, #tpu.memory_space<vmem_shared>> -> memref<128x128xf32, #tpu.memory_space<vmem_shared>>
      %dma_start3A_54 = arith.constant 0 : i32
      %dma_start3A_55 = tpu.memref_slice %arg9[%add3A_16, %dma_start3A_54] : memref<10240x128xf32, #tpu.memory_space<vmem_shared>> -> memref<128x128xf32, #tpu.memory_space<vmem_shared>>
      tpu.enqueue_dma source(%arg8 : memref<128x128xf32, #tpu.memory_space<vmem>>) target(%dma_start3A_55 : memref<128x128xf32, #tpu.memory_space<vmem_shared>>) target_semaphore(%run_scoped3A : memref<!tpu.dma_semaphore, #tpu.memory_space<semaphore_mem>>)
      %dma_wait3A = arith.constant 0 : i32
      %dma_wait3A_56 = tpu.memref_slice %arg9[%add3A_16, %dma_wait3A] : memref<10240x128xf32, #tpu.memory_space<vmem_shared>> -> memref<128x128xf32, #tpu.memory_space<vmem_shared>>
      %dma_wait3A_57 = arith.constant 0 : i32
      %dma_wait3A_58 = tpu.memref_slice %arg9[%add3A_16, %dma_wait3A_57] : memref<10240x128xf32, #tpu.memory_space<vmem_shared>> -> memref<128x128xf32, #tpu.memory_space<vmem_shared>>
      tpu.wait_dma2 semaphore(%run_scoped3A : memref<!tpu.dma_semaphore, #tpu.memory_space<semaphore_mem>>) src(%arg8 : memref<128x128xf32, #tpu.memory_space<vmem>>) dst(%dma_wait3A_58 : memref<128x128xf32, #tpu.memory_space<vmem_shared>>)
      tpu.yield
    }) : () -> ()
    %mul3A_17 = arith.constant 640 : i32
    %mul3A_18 = arith.muli %arg1, %mul3A_17 : i32
    %add3A_19 = arith.constant 384 : i32
    %add3A_20 = arith.addi %mul3A_18, %add3A_19 : i32
    "tpu.region"() ({
      %run_scoped3A = tpu.sem_alloc : memref<!tpu.dma_semaphore, #tpu.memory_space<semaphore_mem>>
      %dma_start3A = arith.constant 0 : i32
      %dma_start3A_53 = tpu.memref_slice %arg9[%add3A_20, %dma_start3A] : memref<10240x128xf32, #tpu.memory_space<vmem_shared>> -> memref<128x128xf32, #tpu.memory_space<vmem_shared>>
      %dma_start3A_54 = arith.constant 0 : i32
      %dma_start3A_55 = tpu.memref_slice %arg9[%add3A_20, %dma_start3A_54] : memref<10240x128xf32, #tpu.memory_space<vmem_shared>> -> memref<128x128xf32, #tpu.memory_space<vmem_shared>>
      tpu.enqueue_dma source(%arg8 : memref<128x128xf32, #tpu.memory_space<vmem>>) target(%dma_start3A_55 : memref<128x128xf32, #tpu.memory_space<vmem_shared>>) target_semaphore(%run_scoped3A : memref<!tpu.dma_semaphore, #tpu.memory_space<semaphore_mem>>)
      %dma_wait3A = arith.constant 0 : i32
      %dma_wait3A_56 = tpu.memref_slice %arg9[%add3A_20, %dma_wait3A] : memref<10240x128xf32, #tpu.memory_space<vmem_shared>> -> memref<128x128xf32, #tpu.memory_space<vmem_shared>>
      %dma_wait3A_57 = arith.constant 0 : i32
      %dma_wait3A_58 = tpu.memref_slice %arg9[%add3A_20, %dma_wait3A_57] : memref<10240x128xf32, #tpu.memory_space<vmem_shared>> -> memref<128x128xf32, #tpu.memory_space<vmem_shared>>
      tpu.wait_dma2 semaphore(%run_scoped3A : memref<!tpu.dma_semaphore, #tpu.memory_space<semaphore_mem>>) src(%arg8 : memref<128x128xf32, #tpu.memory_space<vmem>>) dst(%dma_wait3A_58 : memref<128x128xf32, #tpu.memory_space<vmem_shared>>)
      tpu.yield
    }) : () -> ()
    %mul3A_21 = arith.constant 640 : i32
    %mul3A_22 = arith.muli %arg1, %mul3A_21 : i32
    %add3A_23 = arith.constant 512 : i32
    %add3A_24 = arith.addi %mul3A_22, %add3A_23 : i32
    "tpu.region"() ({
      %run_scoped3A = tpu.sem_alloc : memref<!tpu.dma_semaphore, #tpu.memory_space<semaphore_mem>>
      %dma_start3A = arith.constant 0 : i32
      %dma_start3A_53 = tpu.memref_slice %arg9[%add3A_24, %dma_start3A] : memref<10240x128xf32, #tpu.memory_space<vmem_shared>> -> memref<128x128xf32, #tpu.memory_space<vmem_shared>>
      %dma_start3A_54 = arith.constant 0 : i32
      %dma_start3A_55 = tpu.memref_slice %arg9[%add3A_24, %dma_start3A_54] : memref<10240x128xf32, #tpu.memory_space<vmem_shared>> -> memref<128x128xf32, #tpu.memory_space<vmem_shared>>
      tpu.enqueue_dma source(%arg8 : memref<128x128xf32, #tpu.memory_space<vmem>>) target(%dma_start3A_55 : memref<128x128xf32, #tpu.memory_space<vmem_shared>>) target_semaphore(%run_scoped3A : memref<!tpu.dma_semaphore, #tpu.memory_space<semaphore_mem>>)
      %dma_wait3A = arith.constant 0 : i32
      %dma_wait3A_56 = tpu.memref_slice %arg9[%add3A_24, %dma_wait3A] : memref<10240x128xf32, #tpu.memory_space<vmem_shared>> -> memref<128x128xf32, #tpu.memory_space<vmem_shared>>
      %dma_wait3A_57 = arith.constant 0 : i32
      %dma_wait3A_58 = tpu.memref_slice %arg9[%add3A_24, %dma_wait3A_57] : memref<10240x128xf32, #tpu.memory_space<vmem_shared>> -> memref<128x128xf32, #tpu.memory_space<vmem_shared>>
      tpu.wait_dma2 semaphore(%run_scoped3A : memref<!tpu.dma_semaphore, #tpu.memory_space<semaphore_mem>>) src(%arg8 : memref<128x128xf32, #tpu.memory_space<vmem>>) dst(%dma_wait3A_58 : memref<128x128xf32, #tpu.memory_space<vmem_shared>>)
      tpu.yield
    }) : () -> ()
    %mul3A_25 = arith.constant 80 : i32
    %mul3A_26 = arith.muli %arg1, %mul3A_25 : i32
    "tpu.region"() ({
      %run_scoped3A = tpu.sem_alloc : memref<!tpu.dma_semaphore, #tpu.memory_space<semaphore_mem>>
      %dma_start3A = arith.constant 0 : i32
      %dma_start3A_53 = tpu.memref_slice %arg3[%mul3A_26, %dma_start3A] : memref<1280x128xi32, #tpu.memory_space<hbm>> -> memref<80x128xi32, #tpu.memory_space<hbm>>
      %dma_start3A_54 = arith.constant 0 : i32
      %dma_start3A_55 = tpu.memref_slice %arg3[%mul3A_26, %dma_start3A_54] : memref<1280x128xi32, #tpu.memory_space<hbm>> -> memref<80x128xi32, #tpu.memory_space<hbm>>
      tpu.enqueue_dma source(%dma_start3A_55 : memref<80x128xi32, #tpu.memory_space<hbm>>) target(%arg6 : memref<80x128xi32, #tpu.memory_space<vmem>>) target_semaphore(%run_scoped3A : memref<!tpu.dma_semaphore, #tpu.memory_space<semaphore_mem>>)
      %dma_wait3A = arith.constant 0 : i32
      %dma_wait3A_56 = tpu.memref_slice %arg3[%mul3A_26, %dma_wait3A] : memref<1280x128xi32, #tpu.memory_space<hbm>> -> memref<80x128xi32, #tpu.memory_space<hbm>>
      %dma_wait3A_57 = arith.constant 0 : i32
      %dma_wait3A_58 = tpu.memref_slice %arg3[%mul3A_26, %dma_wait3A_57] : memref<1280x128xi32, #tpu.memory_space<hbm>> -> memref<80x128xi32, #tpu.memory_space<hbm>>
      tpu.wait_dma2 semaphore(%run_scoped3A : memref<!tpu.dma_semaphore, #tpu.memory_space<semaphore_mem>>) src(%dma_wait3A_58 : memref<80x128xi32, #tpu.memory_space<hbm>>) dst(%arg6 : memref<80x128xi32, #tpu.memory_space<vmem>>)
      tpu.yield
    }) : () -> ()
    %mul3A_27 = arith.constant 80 : i32
    %mul3A_28 = arith.muli %arg1, %mul3A_27 : i32
    "tpu.region"() ({
      %run_scoped3A = tpu.sem_alloc : memref<!tpu.dma_semaphore, #tpu.memory_space<semaphore_mem>>
      %dma_start3A = arith.constant 0 : i32
      %dma_start3A_53 = tpu.memref_slice %arg4[%mul3A_28, %dma_start3A] : memref<1280x128xi32, #tpu.memory_space<hbm>> -> memref<80x128xi32, #tpu.memory_space<hbm>>
      %dma_start3A_54 = arith.constant 0 : i32
      %dma_start3A_55 = tpu.memref_slice %arg4[%mul3A_28, %dma_start3A_54] : memref<1280x128xi32, #tpu.memory_space<hbm>> -> memref<80x128xi32, #tpu.memory_space<hbm>>
      tpu.enqueue_dma source(%dma_start3A_55 : memref<80x128xi32, #tpu.memory_space<hbm>>) target(%arg7 : memref<80x128xi32, #tpu.memory_space<vmem>>) target_semaphore(%run_scoped3A : memref<!tpu.dma_semaphore, #tpu.memory_space<semaphore_mem>>)
      %dma_wait3A = arith.constant 0 : i32
      %dma_wait3A_56 = tpu.memref_slice %arg4[%mul3A_28, %dma_wait3A] : memref<1280x128xi32, #tpu.memory_space<hbm>> -> memref<80x128xi32, #tpu.memory_space<hbm>>
      %dma_wait3A_57 = arith.constant 0 : i32
      %dma_wait3A_58 = tpu.memref_slice %arg4[%mul3A_28, %dma_wait3A_57] : memref<1280x128xi32, #tpu.memory_space<hbm>> -> memref<80x128xi32, #tpu.memory_space<hbm>>
      tpu.wait_dma2 semaphore(%run_scoped3A : memref<!tpu.dma_semaphore, #tpu.memory_space<semaphore_mem>>) src(%dma_wait3A_58 : memref<80x128xi32, #tpu.memory_space<hbm>>) dst(%arg7 : memref<80x128xi32, #tpu.memory_space<vmem>>)
      tpu.yield
    }) : () -> ()
    %mul3A_29 = arith.constant 10000 : i32
    %mul3A_30 = arith.muli %arg0, %mul3A_29 : i32
    %broadcast_in_dim3A_31 = vector.broadcast %mul3A_30 : i32 to vector<16xi32>
    %scan3A_32 = arith.constant 0 : i32
    %scan3A_33 = arith.constant 0 : i32
    %scan3A_34 = arith.constant 80 : i32
    %scan3A_35 = arith.addi %scan3A_33, %scan3A_34 : i32
    %scan3A_36 = arith.constant 1 : i32
    %scan3A_37 = scf.for %scan3A_53 = %scan3A_33 to %scan3A_35 step %scan3A_36 iter_args(%scan3A_54 = %scan3A_32) -> (i32)  : i32 {
      %get3A = arith.index_cast %scan3A_53 : i32 to index
      %get3A_55 = arith.constant 0 : index
      %get3A_56 = tpu.vector_load %arg6[%get3A, %get3A_55] {strides = array<i32>} : memref<80x128xi32, #tpu.memory_space<vmem>>, vector<1x16xi32>,
      %get3A_57 = vector.shape_cast %get3A_56 : vector<1x16xi32> to vector<16xi32>
      %add3A_58 = arith.addi %get3A_57, %broadcast_in_dim3A_31 : vector<16xi32>
      %swap3A = arith.index_cast %scan3A_53 : i32 to index
      %swap3A_59 = arith.constant 0 : index
      %swap3A_60 = tpu.vector_load %arg6[%swap3A, %swap3A_59] {strides = array<i32>} : memref<80x128xi32, #tpu.memory_space<vmem>>, vector<1x16xi32>,
      %swap3A_61 = vector.shape_cast %swap3A_60 : vector<1x16xi32> to vector<16xi32>
      %swap3A_62 = vector.shape_cast %add3A_58 : vector<16xi32> to vector<1x16xi32>
      tpu.vector_store %arg6[%swap3A, %swap3A_59], %swap3A_62 {strides = array<i32>} : memref<80x128xi32, #tpu.memory_space<vmem>>, vector<1x16xi32>,
      %get3A_63 = arith.index_cast %scan3A_53 : i32 to index
      %get3A_64 = arith.constant 16 : index
      %get3A_65 = tpu.vector_load %arg6[%get3A_63, %get3A_64] {strides = array<i32>} : memref<80x128xi32, #tpu.memory_space<vmem>>, vector<1x16xi32>,
      %get3A_66 = vector.shape_cast %get3A_65 : vector<1x16xi32> to vector<16xi32>
      %add3A_67 = arith.addi %get3A_66, %broadcast_in_dim3A_31 : vector<16xi32>
      %swap3A_68 = arith.index_cast %scan3A_53 : i32 to index
      %swap3A_69 = arith.constant 16 : index
      %swap3A_70 = tpu.vector_load %arg6[%swap3A_68, %swap3A_69] {strides = array<i32>} : memref<80x128xi32, #tpu.memory_space<vmem>>, vector<1x16xi32>,
      %swap3A_71 = vector.shape_cast %swap3A_70 : vector<1x16xi32> to vector<16xi32>
      %swap3A_72 = vector.shape_cast %add3A_67 : vector<16xi32> to vector<1x16xi32>
      tpu.vector_store %arg6[%swap3A_68, %swap3A_69], %swap3A_72 {strides = array<i32>} : memref<80x128xi32, #tpu.memory_space<vmem>>, vector<1x16xi32>,
      %get3A_73 = arith.index_cast %scan3A_53 : i32 to index
      %get3A_74 = arith.constant 32 : index
      %get3A_75 = tpu.vector_load %arg6[%get3A_73, %get3A_74] {strides = array<i32>} : memref<80x128xi32, #tpu.memory_space<vmem>>, vector<1x16xi32>,
      %get3A_76 = vector.shape_cast %get3A_75 : vector<1x16xi32> to vector<16xi32>
      %add3A_77 = arith.addi %get3A_76, %broadcast_in_dim3A_31 : vector<16xi32>
      %swap3A_78 = arith.index_cast %scan3A_53 : i32 to index
      %swap3A_79 = arith.constant 32 : index
      %swap3A_80 = tpu.vector_load %arg6[%swap3A_78, %swap3A_79] {strides = array<i32>} : memref<80x128xi32, #tpu.memory_space<vmem>>, vector<1x16xi32>,
      %swap3A_81 = vector.shape_cast %swap3A_80 : vector<1x16xi32> to vector<16xi32>
      %swap3A_82 = vector.shape_cast %add3A_77 : vector<16xi32> to vector<1x16xi32>
      tpu.vector_store %arg6[%swap3A_78, %swap3A_79], %swap3A_82 {strides = array<i32>} : memref<80x128xi32, #tpu.memory_space<vmem>>, vector<1x16xi32>,
      %get3A_83 = arith.index_cast %scan3A_53 : i32 to index
      %get3A_84 = arith.constant 48 : index
      %get3A_85 = tpu.vector_load %arg6[%get3A_83, %get3A_84] {strides = array<i32>} : memref<80x128xi32, #tpu.memory_space<vmem>>, vector<1x16xi32>,
      %get3A_86 = vector.shape_cast %get3A_85 : vector<1x16xi32> to vector<16xi32>
      %add3A_87 = arith.addi %get3A_86, %broadcast_in_dim3A_31 : vector<16xi32>
      %swap3A_88 = arith.index_cast %scan3A_53 : i32 to index
      %swap3A_89 = arith.constant 48 : index
      %swap3A_90 = tpu.vector_load %arg6[%swap3A_88, %swap3A_89] {strides = array<i32>} : memref<80x128xi32, #tpu.memory_space<vmem>>, vector<1x16xi32>,
      %swap3A_91 = vector.shape_cast %swap3A_90 : vector<1x16xi32> to vector<16xi32>
      %swap3A_92 = vector.shape_cast %add3A_87 : vector<16xi32> to vector<1x16xi32>
      tpu.vector_store %arg6[%swap3A_88, %swap3A_89], %swap3A_92 {strides = array<i32>} : memref<80x128xi32, #tpu.memory_space<vmem>>, vector<1x16xi32>,
      %get3A_93 = arith.index_cast %scan3A_53 : i32 to index
      %get3A_94 = arith.constant 64 : index
      %get3A_95 = tpu.vector_load %arg6[%get3A_93, %get3A_94] {strides = array<i32>} : memref<80x128xi32, #tpu.memory_space<vmem>>, vector<1x16xi32>,
      %get3A_96 = vector.shape_cast %get3A_95 : vector<1x16xi32> to vector<16xi32>
      %add3A_97 = arith.addi %get3A_96, %broadcast_in_dim3A_31 : vector<16xi32>
      %swap3A_98 = arith.index_cast %scan3A_53 : i32 to index
      %swap3A_99 = arith.constant 64 : index
      %swap3A_100 = tpu.vector_load %arg6[%swap3A_98, %swap3A_99] {strides = array<i32>} : memref<80x128xi32, #tpu.memory_space<vmem>>, vector<1x16xi32>,
      %swap3A_101 = vector.shape_cast %swap3A_100 : vector<1x16xi32> to vector<16xi32>
      %swap3A_102 = vector.shape_cast %add3A_97 : vector<16xi32> to vector<1x16xi32>
      tpu.vector_store %arg6[%swap3A_98, %swap3A_99], %swap3A_102 {strides = array<i32>} : memref<80x128xi32, #tpu.memory_space<vmem>>, vector<1x16xi32>,
      %get3A_103 = arith.index_cast %scan3A_53 : i32 to index
      %get3A_104 = arith.constant 80 : index
      %get3A_105 = tpu.vector_load %arg6[%get3A_103, %get3A_104] {strides = array<i32>} : memref<80x128xi32, #tpu.memory_space<vmem>>, vector<1x16xi32>,
      %get3A_106 = vector.shape_cast %get3A_105 : vector<1x16xi32> to vector<16xi32>
      %add3A_107 = arith.addi %get3A_106, %broadcast_in_dim3A_31 : vector<16xi32>
      %swap3A_108 = arith.index_cast %scan3A_53 : i32 to index
      %swap3A_109 = arith.constant 80 : index
      %swap3A_110 = tpu.vector_load %arg6[%swap3A_108, %swap3A_109] {strides = array<i32>} : memref<80x128xi32, #tpu.memory_space<vmem>>, vector<1x16xi32>,
      %swap3A_111 = vector.shape_cast %swap3A_110 : vector<1x16xi32> to vector<16xi32>
      %swap3A_112 = vector.shape_cast %add3A_107 : vector<16xi32> to vector<1x16xi32>
      tpu.vector_store %arg6[%swap3A_108, %swap3A_109], %swap3A_112 {strides = array<i32>} : memref<80x128xi32, #tpu.memory_space<vmem>>, vector<1x16xi32>,
      %get3A_113 = arith.index_cast %scan3A_53 : i32 to index
      %get3A_114 = arith.constant 96 : index
      %get3A_115 = tpu.vector_load %arg6[%get3A_113, %get3A_114] {strides = array<i32>} : memref<80x128xi32, #tpu.memory_space<vmem>>, vector<1x16xi32>,
      %get3A_116 = vector.shape_cast %get3A_115 : vector<1x16xi32> to vector<16xi32>
      %add3A_117 = arith.addi %get3A_116, %broadcast_in_dim3A_31 : vector<16xi32>
      %swap3A_118 = arith.index_cast %scan3A_53 : i32 to index
      %swap3A_119 = arith.constant 96 : index
      %swap3A_120 = tpu.vector_load %arg6[%swap3A_118, %swap3A_119] {strides = array<i32>} : memref<80x128xi32, #tpu.memory_space<vmem>>, vector<1x16xi32>,
      %swap3A_121 = vector.shape_cast %swap3A_120 : vector<1x16xi32> to vector<16xi32>
      %swap3A_122 = vector.shape_cast %add3A_117 : vector<16xi32> to vector<1x16xi32>
      tpu.vector_store %arg6[%swap3A_118, %swap3A_119], %swap3A_122 {strides = array<i32>} : memref<80x128xi32, #tpu.memory_space<vmem>>, vector<1x16xi32>,
      %get3A_123 = arith.index_cast %scan3A_53 : i32 to index
      %get3A_124 = arith.constant 112 : index
      %get3A_125 = tpu.vector_load %arg6[%get3A_123, %get3A_124] {strides = array<i32>} : memref<80x128xi32, #tpu.memory_space<vmem>>, vector<1x16xi32>,
      %get3A_126 = vector.shape_cast %get3A_125 : vector<1x16xi32> to vector<16xi32>
      %add3A_127 = arith.addi %get3A_126, %broadcast_in_dim3A_31 : vector<16xi32>
      %swap3A_128 = arith.index_cast %scan3A_53 : i32 to index
      %swap3A_129 = arith.constant 112 : index
      %swap3A_130 = tpu.vector_load %arg6[%swap3A_128, %swap3A_129] {strides = array<i32>} : memref<80x128xi32, #tpu.memory_space<vmem>>, vector<1x16xi32>,
      %swap3A_131 = vector.shape_cast %swap3A_130 : vector<1x16xi32> to vector<16xi32>
      %swap3A_132 = vector.shape_cast %add3A_127 : vector<16xi32> to vector<1x16xi32>
      tpu.vector_store %arg6[%swap3A_128, %swap3A_129], %swap3A_132 {strides = array<i32>} : memref<80x128xi32, #tpu.memory_space<vmem>>, vector<1x16xi32>,
      %scan3A_133 = arith.constant 0 : i32
      scf.yield %scan3A_133 : i32
    }
    %scan3A_38 = arith.constant 80 : i32
    %barrier3A = arith.constant 0 : index
    tpu.barrier barrier_id(%barrier3A)
    %scan3A_39 = arith.constant 0 : i32
    %scan3A_40 = arith.constant 0 : i32
    %scan3A_41 = arith.constant 80 : i32
    %scan3A_42 = arith.addi %scan3A_40, %scan3A_41 : i32
    %scan3A_43 = arith.constant 1 : i32
    %scan3A_44 = scf.for %scan3A_53 = %scan3A_40 to %scan3A_42 step %scan3A_43 iter_args(%scan3A_54 = %scan3A_39) -> (i32)  : i32 {
      %dma_start3A = arith.constant 0 : i32
      %dma_start3A_55 = tpu.memref_slice %arg6[%scan3A_53, %dma_start3A] : memref<80x128xi32, #tpu.memory_space<vmem>> -> memref<1x128xi32, #tpu.memory_space<vmem>>
      %dma_start3A_56 = tpu.memref_squeeze %dma_start3A_55 : memref<1x128xi32, #tpu.memory_space<vmem>> -> memref<128xi32, #tpu.memory_space<vmem>>
      %dma_start3A_57 = arith.constant 0 : i32
      %dma_start3A_58 = arith.constant 0 : i32
      %dma_start3A_59 = tpu.memref_slice %arg2[%dma_start3A_57, %dma_start3A_58] : memref<20000x128xf32, #tpu.memory_space<hbm>> -> memref<20000x128xf32, #tpu.memory_space<hbm>>
      tpu.enqueue_indirect_dma source(%dma_start3A_59 : memref<20000x128xf32, #tpu.memory_space<hbm>>) target(%arg8 : memref<128x128xf32, #tpu.memory_space<vmem>>) offsets(%dma_start3A_56 : memref<128xi32, #tpu.memory_space<vmem>>) semaphore(%arg10 : memref<!tpu.dma_semaphore, #tpu.memory_space<semaphore_mem>>)
      %dma_wait3A = arith.constant 0 : i32
      %dma_wait3A_60 = tpu.memref_slice %arg6[%scan3A_53, %dma_wait3A] : memref<80x128xi32, #tpu.memory_space<vmem>> -> memref<1x128xi32, #tpu.memory_space<vmem>>
      %dma_wait3A_61 = tpu.memref_squeeze %dma_wait3A_60 : memref<1x128xi32, #tpu.memory_space<vmem>> -> memref<128xi32, #tpu.memory_space<vmem>>
      %dma_wait3A_62 = arith.constant 0 : i32
      %dma_wait3A_63 = arith.constant 0 : i32
      %dma_wait3A_64 = tpu.memref_slice %arg2[%dma_wait3A_62, %dma_wait3A_63] : memref<20000x128xf32, #tpu.memory_space<hbm>> -> memref<20000x128xf32, #tpu.memory_space<hbm>>
      tpu.wait_indirect_dma semaphore(%arg10 : memref<!tpu.dma_semaphore, #tpu.memory_space<semaphore_mem>>) src(%dma_wait3A_64 : memref<20000x128xf32, #tpu.memory_space<hbm>>) dst(%arg8 : memref<128x128xf32, #tpu.memory_space<vmem>>)
      "tpu.region"() ({
        %run_scoped3A = tpu.sem_alloc : memref<!tpu.dma_semaphore, #tpu.memory_space<semaphore_mem>>
        %dma_start3A_66 = arith.constant 0 : i32
        %dma_start3A_67 = tpu.memref_slice %arg7[%scan3A_53, %dma_start3A_66] : memref<80x128xi32, #tpu.memory_space<vmem>> -> memref<1x128xi32, #tpu.memory_space<vmem>>
        %dma_start3A_68 = tpu.memref_squeeze %dma_start3A_67 : memref<1x128xi32, #tpu.memory_space<vmem>> -> memref<128xi32, #tpu.memory_space<vmem>>
        %dma_start3A_69 = arith.constant 0 : i32
        %dma_start3A_70 = arith.constant 0 : i32
        %dma_start3A_71 = tpu.memref_slice %arg9[%dma_start3A_69, %dma_start3A_70] : memref<10240x128xf32, #tpu.memory_space<vmem_shared>> -> memref<10240x128xf32, #tpu.memory_space<vmem_shared>>
        tpu.enqueue_indirect_dma source(%arg8 : memref<128x128xf32, #tpu.memory_space<vmem>>) target(%dma_start3A_71 : memref<10240x128xf32, #tpu.memory_space<vmem_shared>>) offsets(%dma_start3A_68 : memref<128xi32, #tpu.memory_space<vmem>>) semaphore(%run_scoped3A : memref<!tpu.dma_semaphore, #tpu.memory_space<semaphore_mem>>) {add = true}
        %dma_wait3A_72 = arith.constant 0 : i32
        %dma_wait3A_73 = tpu.memref_slice %arg7[%scan3A_53, %dma_wait3A_72] : memref<80x128xi32, #tpu.memory_space<vmem>> -> memref<1x128xi32, #tpu.memory_space<vmem>>
        %dma_wait3A_74 = tpu.memref_squeeze %dma_wait3A_73 : memref<1x128xi32, #tpu.memory_space<vmem>> -> memref<128xi32, #tpu.memory_space<vmem>>
        %dma_wait3A_75 = arith.constant 0 : i32
        %dma_wait3A_76 = arith.constant 0 : i32
        %dma_wait3A_77 = tpu.memref_slice %arg9[%dma_wait3A_75, %dma_wait3A_76] : memref<10240x128xf32, #tpu.memory_space<vmem_shared>> -> memref<10240x128xf32, #tpu.memory_space<vmem_shared>>
        tpu.wait_indirect_dma semaphore(%run_scoped3A : memref<!tpu.dma_semaphore, #tpu.memory_space<semaphore_mem>>) src(%arg8 : memref<128x128xf32, #tpu.memory_space<vmem>>) dst(%dma_wait3A_77 : memref<10240x128xf32, #tpu.memory_space<vmem_shared>>)
        tpu.yield
      }) : () -> ()
      %scan3A_65 = arith.constant 0 : i32
      scf.yield %scan3A_65 : i32
    }
    %scan3A_45 = arith.constant 80 : i32
    %barrier3A_46 = arith.constant 0 : index
    tpu.barrier barrier_id(%barrier3A_46)
    %lt3A = arith.constant 15 : i32
    %lt3A_47 = arith.cmpi slt, %arg1, %lt3A : i32
    %convert_element_type3A = arith.extui %lt3A_47 : i1 to i32
    %cond3A = arith.constant 0 : i32
    %cond3A_48 = arith.cmpi ne, %convert_element_type3A, %cond3A : i32
    scf.if %cond3A_48 {
      %mul3A_53 = arith.constant 640 : i32
      %mul3A_54 = arith.muli %arg1, %mul3A_53 : i32
      %mul3A_55 = arith.constant 640 : i32
      %mul3A_56 = arith.muli %arg1, %mul3A_55 : i32
      "tpu.region"() ({
        %run_scoped3A = tpu.sem_alloc : memref<!tpu.dma_semaphore, #tpu.memory_space<semaphore_mem>>
        %dma_start3A = arith.constant 0 : i32
        %dma_start3A_57 = tpu.memref_slice %arg5[%arg0, %mul3A_56, %dma_start3A] : memref<2x10000x128xf32, #tpu.memory_space<hbm>> -> memref<1x640x128xf32, #tpu.memory_space<hbm>>
        %dma_start3A_58 = tpu.memref_squeeze %dma_start3A_57 : memref<1x640x128xf32, #tpu.memory_space<hbm>> -> memref<640x128xf32, #tpu.memory_space<hbm>>
        %dma_start3A_59 = arith.constant 0 : i32
        %dma_start3A_60 = tpu.memref_slice %arg9[%mul3A_54, %dma_start3A_59] : memref<10240x128xf32, #tpu.memory_space<vmem_shared>> -> memref<640x128xf32, #tpu.memory_space<vmem_shared>>
        tpu.enqueue_dma source(%dma_start3A_60 : memref<640x128xf32, #tpu.memory_space<vmem_shared>>) target(%dma_start3A_58 : memref<640x128xf32, #tpu.memory_space<hbm>>) target_semaphore(%run_scoped3A : memref<!tpu.dma_semaphore, #tpu.memory_space<semaphore_mem>>)
        %dma_wait3A = arith.constant 0 : i32
        %dma_wait3A_61 = tpu.memref_slice %arg5[%arg0, %mul3A_56, %dma_wait3A] : memref<2x10000x128xf32, #tpu.memory_space<hbm>> -> memref<1x640x128xf32, #tpu.memory_space<hbm>>
        %dma_wait3A_62 = tpu.memref_squeeze %dma_wait3A_61 : memref<1x640x128xf32, #tpu.memory_space<hbm>> -> memref<640x128xf32, #tpu.memory_space<hbm>>
        %dma_wait3A_63 = arith.constant 0 : i32
        %dma_wait3A_64 = tpu.memref_slice %arg9[%mul3A_54, %dma_wait3A_63] : memref<10240x128xf32, #tpu.memory_space<vmem_shared>> -> memref<640x128xf32, #tpu.memory_space<vmem_shared>>
        tpu.wait_dma2 semaphore(%run_scoped3A : memref<!tpu.dma_semaphore, #tpu.memory_space<semaphore_mem>>) src(%dma_wait3A_64 : memref<640x128xf32, #tpu.memory_space<vmem_shared>>) dst(%dma_wait3A_62 : memref<640x128xf32, #tpu.memory_space<hbm>>)
        tpu.yield
      }) : () -> ()
    } else {
    }
    %eq3A = arith.constant 15 : i32
    %eq3A_49 = arith.cmpi eq, %arg1, %eq3A : i32
    %convert_element_type3A_50 = arith.extui %eq3A_49 : i1 to i32
    %cond3A_51 = arith.constant 0 : i32
    %cond3A_52 = arith.cmpi ne, %convert_element_type3A_50, %cond3A_51 : i32
    scf.if %cond3A_52 {
      "tpu.region"() ({
        %run_scoped3A = tpu.sem_alloc : memref<!tpu.dma_semaphore, #tpu.memory_space<semaphore_mem>>
        %dma_start3A = arith.constant 9600 : i32
        %dma_start3A_53 = arith.constant 0 : i32
        %dma_start3A_54 = tpu.memref_slice %arg5[%arg0, %dma_start3A, %dma_start3A_53] : memref<2x10000x128xf32, #tpu.memory_space<hbm>> -> memref<1x400x128xf32, #tpu.memory_space<hbm>>
        %dma_start3A_55 = tpu.memref_squeeze %dma_start3A_54 : memref<1x400x128xf32, #tpu.memory_space<hbm>> -> memref<400x128xf32, #tpu.memory_space<hbm>>
        %dma_start3A_56 = arith.constant 9600 : i32
        %dma_start3A_57 = arith.constant 0 : i32
        %dma_start3A_58 = tpu.memref_slice %arg9[%dma_start3A_56, %dma_start3A_57] : memref<10240x128xf32, #tpu.memory_space<vmem_shared>> -> memref<400x128xf32, #tpu.memory_space<vmem_shared>>
        tpu.enqueue_dma source(%dma_start3A_58 : memref<400x128xf32, #tpu.memory_space<vmem_shared>>) target(%dma_start3A_55 : memref<400x128xf32, #tpu.memory_space<hbm>>) target_semaphore(%run_scoped3A : memref<!tpu.dma_semaphore, #tpu.memory_space<semaphore_mem>>)
        %dma_wait3A = arith.constant 9600 : i32
        %dma_wait3A_59 = arith.constant 0 : i32
        %dma_wait3A_60 = tpu.memref_slice %arg5[%arg0, %dma_wait3A, %dma_wait3A_59] : memref<2x10000x128xf32, #tpu.memory_space<hbm>> -> memref<1x400x128xf32, #tpu.memory_space<hbm>>
        %dma_wait3A_61 = tpu.memref_squeeze %dma_wait3A_60 : memref<1x400x128xf32, #tpu.memory_space<hbm>> -> memref<400x128xf32, #tpu.memory_space<hbm>>
        %dma_wait3A_62 = arith.constant 9600 : i32
        %dma_wait3A_63 = arith.constant 0 : i32
        %dma_wait3A_64 = tpu.memref_slice %arg9[%dma_wait3A_62, %dma_wait3A_63] : memref<10240x128xf32, #tpu.memory_space<vmem_shared>> -> memref<400x128xf32, #tpu.memory_space<vmem_shared>>
        tpu.wait_dma2 semaphore(%run_scoped3A : memref<!tpu.dma_semaphore, #tpu.memory_space<semaphore_mem>>) src(%dma_wait3A_64 : memref<400x128xf32, #tpu.memory_space<vmem_shared>>) dst(%dma_wait3A_61 : memref<400x128xf32, #tpu.memory_space<hbm>>)
        tpu.yield
      }) : () -> ()
    } else {
    }
    return
  }
}

#map = affine_map<(d0, d1) -> (0, 0)>
#map1 = affine_map<(d0, d1) -> (0, 0, 0)>
module attributes {stable_mosaic.version = 14 : i64} {
  func.func @_deg_body(%arg0: i32, %arg1: i32, %arg2: memref<1280x128xi32, #tpu.memory_space<hbm>>, %arg3: memref<2x10000x16xf32, #tpu.memory_space<hbm>>, %arg4: memref<40x128xi32, #tpu.memory_space<vmem>>, %arg5: memref<128x16xf32, #tpu.memory_space<vmem>>, %arg6: memref<128x16xf32, #tpu.memory_space<vmem>>, %arg7: memref<10240x16xf32, #tpu.memory_space<vmem_shared>>) attributes {dimension_semantics = [#tpu.dimension_semantics<core_parallel>, #tpu.dimension_semantics<subcore_parallel>], iteration_bounds = array<i64: 2, 16>, scalar_prefetch = 0 : i64, scratch_operands = 4 : i64, tpu.core_type = #tpu.core_type<sc_vector_subcore>, window_params = [{transform_indices = #map}, {transform_indices = #map1}]} {
    %broadcast_in_dim3A = arith.constant 0.000000e+00 : f32
    %broadcast_in_dim3A_0 = vector.broadcast %broadcast_in_dim3A : f32 to vector<16xf32>
    %broadcast_in_dim3A_1 = arith.constant 1.000000e+00 : f32
    %broadcast_in_dim3A_2 = vector.broadcast %broadcast_in_dim3A_1 : f32 to vector<16xf32>
    %scan3A = arith.constant 0 : i32
    %scan3A_3 = arith.constant 0 : i32
    %scan3A_4 = arith.constant 128 : i32
    %scan3A_5 = arith.addi %scan3A_3, %scan3A_4 : i32
    %scan3A_6 = arith.constant 1 : i32
    %scan3A_7 = scf.for %scan3A_46 = %scan3A_3 to %scan3A_5 step %scan3A_6 iter_args(%scan3A_47 = %scan3A) -> (i32)  : i32 {
      %swap3A = arith.index_cast %scan3A_46 : i32 to index
      %swap3A_48 = arith.constant 0 : index
      %swap3A_49 = tpu.vector_load %arg6[%swap3A, %swap3A_48] {strides = array<i32>} : memref<128x16xf32, #tpu.memory_space<vmem>>, vector<1x16xf32>,
      %swap3A_50 = vector.shape_cast %swap3A_49 : vector<1x16xf32> to vector<16xf32>
      %swap3A_51 = vector.shape_cast %broadcast_in_dim3A_0 : vector<16xf32> to vector<1x16xf32>
      tpu.vector_store %arg6[%swap3A, %swap3A_48], %swap3A_51 {strides = array<i32>} : memref<128x16xf32, #tpu.memory_space<vmem>>, vector<1x16xf32>,
      %swap3A_52 = arith.index_cast %scan3A_46 : i32 to index
      %swap3A_53 = arith.constant 0 : index
      %swap3A_54 = tpu.vector_load %arg5[%swap3A_52, %swap3A_53] {strides = array<i32>} : memref<128x16xf32, #tpu.memory_space<vmem>>, vector<1x16xf32>,
      %swap3A_55 = vector.shape_cast %swap3A_54 : vector<1x16xf32> to vector<16xf32>
      %swap3A_56 = vector.shape_cast %broadcast_in_dim3A_2 : vector<16xf32> to vector<1x16xf32>
      tpu.vector_store %arg5[%swap3A_52, %swap3A_53], %swap3A_56 {strides = array<i32>} : memref<128x16xf32, #tpu.memory_space<vmem>>, vector<1x16xf32>,
      %scan3A_57 = arith.constant 0 : i32
      scf.yield %scan3A_57 : i32
    }
    %scan3A_8 = arith.constant 128 : i32
    %mul3A = arith.constant 640 : i32
    %mul3A_9 = arith.muli %arg1, %mul3A : i32
    %add3A = arith.constant 0 : i32
    %add3A_10 = arith.addi %mul3A_9, %add3A : i32
    "tpu.region"() ({
      %run_scoped3A = tpu.sem_alloc : memref<!tpu.dma_semaphore, #tpu.memory_space<semaphore_mem>>
      %dma_start3A = arith.constant 0 : i32
      %dma_start3A_46 = tpu.memref_slice %arg7[%add3A_10, %dma_start3A] : memref<10240x16xf32, #tpu.memory_space<vmem_shared>> -> memref<128x16xf32, #tpu.memory_space<vmem_shared>>
      %dma_start3A_47 = arith.constant 0 : i32
      %dma_start3A_48 = tpu.memref_slice %arg7[%add3A_10, %dma_start3A_47] : memref<10240x16xf32, #tpu.memory_space<vmem_shared>> -> memref<128x16xf32, #tpu.memory_space<vmem_shared>>
      tpu.enqueue_dma source(%arg6 : memref<128x16xf32, #tpu.memory_space<vmem>>) target(%dma_start3A_48 : memref<128x16xf32, #tpu.memory_space<vmem_shared>>) target_semaphore(%run_scoped3A : memref<!tpu.dma_semaphore, #tpu.memory_space<semaphore_mem>>)
      %dma_wait3A = arith.constant 0 : i32
      %dma_wait3A_49 = tpu.memref_slice %arg7[%add3A_10, %dma_wait3A] : memref<10240x16xf32, #tpu.memory_space<vmem_shared>> -> memref<128x16xf32, #tpu.memory_space<vmem_shared>>
      %dma_wait3A_50 = arith.constant 0 : i32
      %dma_wait3A_51 = tpu.memref_slice %arg7[%add3A_10, %dma_wait3A_50] : memref<10240x16xf32, #tpu.memory_space<vmem_shared>> -> memref<128x16xf32, #tpu.memory_space<vmem_shared>>
      tpu.wait_dma2 semaphore(%run_scoped3A : memref<!tpu.dma_semaphore, #tpu.memory_space<semaphore_mem>>) src(%arg6 : memref<128x16xf32, #tpu.memory_space<vmem>>) dst(%dma_wait3A_51 : memref<128x16xf32, #tpu.memory_space<vmem_shared>>)
      tpu.yield
    }) : () -> ()
    %mul3A_11 = arith.constant 640 : i32
    %mul3A_12 = arith.muli %arg1, %mul3A_11 : i32
    %add3A_13 = arith.constant 128 : i32
    %add3A_14 = arith.addi %mul3A_12, %add3A_13 : i32
    "tpu.region"() ({
      %run_scoped3A = tpu.sem_alloc : memref<!tpu.dma_semaphore, #tpu.memory_space<semaphore_mem>>
      %dma_start3A = arith.constant 0 : i32
      %dma_start3A_46 = tpu.memref_slice %arg7[%add3A_14, %dma_start3A] : memref<10240x16xf32, #tpu.memory_space<vmem_shared>> -> memref<128x16xf32, #tpu.memory_space<vmem_shared>>
      %dma_start3A_47 = arith.constant 0 : i32
      %dma_start3A_48 = tpu.memref_slice %arg7[%add3A_14, %dma_start3A_47] : memref<10240x16xf32, #tpu.memory_space<vmem_shared>> -> memref<128x16xf32, #tpu.memory_space<vmem_shared>>
      tpu.enqueue_dma source(%arg6 : memref<128x16xf32, #tpu.memory_space<vmem>>) target(%dma_start3A_48 : memref<128x16xf32, #tpu.memory_space<vmem_shared>>) target_semaphore(%run_scoped3A : memref<!tpu.dma_semaphore, #tpu.memory_space<semaphore_mem>>)
      %dma_wait3A = arith.constant 0 : i32
      %dma_wait3A_49 = tpu.memref_slice %arg7[%add3A_14, %dma_wait3A] : memref<10240x16xf32, #tpu.memory_space<vmem_shared>> -> memref<128x16xf32, #tpu.memory_space<vmem_shared>>
      %dma_wait3A_50 = arith.constant 0 : i32
      %dma_wait3A_51 = tpu.memref_slice %arg7[%add3A_14, %dma_wait3A_50] : memref<10240x16xf32, #tpu.memory_space<vmem_shared>> -> memref<128x16xf32, #tpu.memory_space<vmem_shared>>
      tpu.wait_dma2 semaphore(%run_scoped3A : memref<!tpu.dma_semaphore, #tpu.memory_space<semaphore_mem>>) src(%arg6 : memref<128x16xf32, #tpu.memory_space<vmem>>) dst(%dma_wait3A_51 : memref<128x16xf32, #tpu.memory_space<vmem_shared>>)
      tpu.yield
    }) : () -> ()
    %mul3A_15 = arith.constant 640 : i32
    %mul3A_16 = arith.muli %arg1, %mul3A_15 : i32
    %add3A_17 = arith.constant 256 : i32
    %add3A_18 = arith.addi %mul3A_16, %add3A_17 : i32
    "tpu.region"() ({
      %run_scoped3A = tpu.sem_alloc : memref<!tpu.dma_semaphore, #tpu.memory_space<semaphore_mem>>
      %dma_start3A = arith.constant 0 : i32
      %dma_start3A_46 = tpu.memref_slice %arg7[%add3A_18, %dma_start3A] : memref<10240x16xf32, #tpu.memory_space<vmem_shared>> -> memref<128x16xf32, #tpu.memory_space<vmem_shared>>
      %dma_start3A_47 = arith.constant 0 : i32
      %dma_start3A_48 = tpu.memref_slice %arg7[%add3A_18, %dma_start3A_47] : memref<10240x16xf32, #tpu.memory_space<vmem_shared>> -> memref<128x16xf32, #tpu.memory_space<vmem_shared>>
      tpu.enqueue_dma source(%arg6 : memref<128x16xf32, #tpu.memory_space<vmem>>) target(%dma_start3A_48 : memref<128x16xf32, #tpu.memory_space<vmem_shared>>) target_semaphore(%run_scoped3A : memref<!tpu.dma_semaphore, #tpu.memory_space<semaphore_mem>>)
      %dma_wait3A = arith.constant 0 : i32
      %dma_wait3A_49 = tpu.memref_slice %arg7[%add3A_18, %dma_wait3A] : memref<10240x16xf32, #tpu.memory_space<vmem_shared>> -> memref<128x16xf32, #tpu.memory_space<vmem_shared>>
      %dma_wait3A_50 = arith.constant 0 : i32
      %dma_wait3A_51 = tpu.memref_slice %arg7[%add3A_18, %dma_wait3A_50] : memref<10240x16xf32, #tpu.memory_space<vmem_shared>> -> memref<128x16xf32, #tpu.memory_space<vmem_shared>>
      tpu.wait_dma2 semaphore(%run_scoped3A : memref<!tpu.dma_semaphore, #tpu.memory_space<semaphore_mem>>) src(%arg6 : memref<128x16xf32, #tpu.memory_space<vmem>>) dst(%dma_wait3A_51 : memref<128x16xf32, #tpu.memory_space<vmem_shared>>)
      tpu.yield
    }) : () -> ()
    %mul3A_19 = arith.constant 640 : i32
    %mul3A_20 = arith.muli %arg1, %mul3A_19 : i32
    %add3A_21 = arith.constant 384 : i32
    %add3A_22 = arith.addi %mul3A_20, %add3A_21 : i32
    "tpu.region"() ({
      %run_scoped3A = tpu.sem_alloc : memref<!tpu.dma_semaphore, #tpu.memory_space<semaphore_mem>>
      %dma_start3A = arith.constant 0 : i32
      %dma_start3A_46 = tpu.memref_slice %arg7[%add3A_22, %dma_start3A] : memref<10240x16xf32, #tpu.memory_space<vmem_shared>> -> memref<128x16xf32, #tpu.memory_space<vmem_shared>>
      %dma_start3A_47 = arith.constant 0 : i32
      %dma_start3A_48 = tpu.memref_slice %arg7[%add3A_22, %dma_start3A_47] : memref<10240x16xf32, #tpu.memory_space<vmem_shared>> -> memref<128x16xf32, #tpu.memory_space<vmem_shared>>
      tpu.enqueue_dma source(%arg6 : memref<128x16xf32, #tpu.memory_space<vmem>>) target(%dma_start3A_48 : memref<128x16xf32, #tpu.memory_space<vmem_shared>>) target_semaphore(%run_scoped3A : memref<!tpu.dma_semaphore, #tpu.memory_space<semaphore_mem>>)
      %dma_wait3A = arith.constant 0 : i32
      %dma_wait3A_49 = tpu.memref_slice %arg7[%add3A_22, %dma_wait3A] : memref<10240x16xf32, #tpu.memory_space<vmem_shared>> -> memref<128x16xf32, #tpu.memory_space<vmem_shared>>
      %dma_wait3A_50 = arith.constant 0 : i32
      %dma_wait3A_51 = tpu.memref_slice %arg7[%add3A_22, %dma_wait3A_50] : memref<10240x16xf32, #tpu.memory_space<vmem_shared>> -> memref<128x16xf32, #tpu.memory_space<vmem_shared>>
      tpu.wait_dma2 semaphore(%run_scoped3A : memref<!tpu.dma_semaphore, #tpu.memory_space<semaphore_mem>>) src(%arg6 : memref<128x16xf32, #tpu.memory_space<vmem>>) dst(%dma_wait3A_51 : memref<128x16xf32, #tpu.memory_space<vmem_shared>>)
      tpu.yield
    }) : () -> ()
    %mul3A_23 = arith.constant 640 : i32
    %mul3A_24 = arith.muli %arg1, %mul3A_23 : i32
    %add3A_25 = arith.constant 512 : i32
    %add3A_26 = arith.addi %mul3A_24, %add3A_25 : i32
    "tpu.region"() ({
      %run_scoped3A = tpu.sem_alloc : memref<!tpu.dma_semaphore, #tpu.memory_space<semaphore_mem>>
      %dma_start3A = arith.constant 0 : i32
      %dma_start3A_46 = tpu.memref_slice %arg7[%add3A_26, %dma_start3A] : memref<10240x16xf32, #tpu.memory_space<vmem_shared>> -> memref<128x16xf32, #tpu.memory_space<vmem_shared>>
      %dma_start3A_47 = arith.constant 0 : i32
      %dma_start3A_48 = tpu.memref_slice %arg7[%add3A_26, %dma_start3A_47] : memref<10240x16xf32, #tpu.memory_space<vmem_shared>> -> memref<128x16xf32, #tpu.memory_space<vmem_shared>>
      tpu.enqueue_dma source(%arg6 : memref<128x16xf32, #tpu.memory_space<vmem>>) target(%dma_start3A_48 : memref<128x16xf32, #tpu.memory_space<vmem_shared>>) target_semaphore(%run_scoped3A : memref<!tpu.dma_semaphore, #tpu.memory_space<semaphore_mem>>)
      %dma_wait3A = arith.constant 0 : i32
      %dma_wait3A_49 = tpu.memref_slice %arg7[%add3A_26, %dma_wait3A] : memref<10240x16xf32, #tpu.memory_space<vmem_shared>> -> memref<128x16xf32, #tpu.memory_space<vmem_shared>>
      %dma_wait3A_50 = arith.constant 0 : i32
      %dma_wait3A_51 = tpu.memref_slice %arg7[%add3A_26, %dma_wait3A_50] : memref<10240x16xf32, #tpu.memory_space<vmem_shared>> -> memref<128x16xf32, #tpu.memory_space<vmem_shared>>
      tpu.wait_dma2 semaphore(%run_scoped3A : memref<!tpu.dma_semaphore, #tpu.memory_space<semaphore_mem>>) src(%arg6 : memref<128x16xf32, #tpu.memory_space<vmem>>) dst(%dma_wait3A_51 : memref<128x16xf32, #tpu.memory_space<vmem_shared>>)
      tpu.yield
    }) : () -> ()
    %mul3A_27 = arith.constant 16 : i32
    %mul3A_28 = arith.muli %arg0, %mul3A_27 : i32
    %add3A_29 = arith.addi %mul3A_28, %arg1 : i32
    %mul3A_30 = arith.constant 40 : i32
    %mul3A_31 = arith.muli %add3A_29, %mul3A_30 : i32
    "tpu.region"() ({
      %run_scoped3A = tpu.sem_alloc : memref<!tpu.dma_semaphore, #tpu.memory_space<semaphore_mem>>
      %dma_start3A = arith.constant 0 : i32
      %dma_start3A_46 = tpu.memref_slice %arg2[%mul3A_31, %dma_start3A] : memref<1280x128xi32, #tpu.memory_space<hbm>> -> memref<40x128xi32, #tpu.memory_space<hbm>>
      %dma_start3A_47 = arith.constant 0 : i32
      %dma_start3A_48 = tpu.memref_slice %arg2[%mul3A_31, %dma_start3A_47] : memref<1280x128xi32, #tpu.memory_space<hbm>> -> memref<40x128xi32, #tpu.memory_space<hbm>>
      tpu.enqueue_dma source(%dma_start3A_48 : memref<40x128xi32, #tpu.memory_space<hbm>>) target(%arg4 : memref<40x128xi32, #tpu.memory_space<vmem>>) target_semaphore(%run_scoped3A : memref<!tpu.dma_semaphore, #tpu.memory_space<semaphore_mem>>)
      %dma_wait3A = arith.constant 0 : i32
      %dma_wait3A_49 = tpu.memref_slice %arg2[%mul3A_31, %dma_wait3A] : memref<1280x128xi32, #tpu.memory_space<hbm>> -> memref<40x128xi32, #tpu.memory_space<hbm>>
      %dma_wait3A_50 = arith.constant 0 : i32
      %dma_wait3A_51 = tpu.memref_slice %arg2[%mul3A_31, %dma_wait3A_50] : memref<1280x128xi32, #tpu.memory_space<hbm>> -> memref<40x128xi32, #tpu.memory_space<hbm>>
      tpu.wait_dma2 semaphore(%run_scoped3A : memref<!tpu.dma_semaphore, #tpu.memory_space<semaphore_mem>>) src(%dma_wait3A_51 : memref<40x128xi32, #tpu.memory_space<hbm>>) dst(%arg4 : memref<40x128xi32, #tpu.memory_space<vmem>>)
      tpu.yield
    }) : () -> ()
    %barrier3A = arith.constant 0 : index
    tpu.barrier barrier_id(%barrier3A)
    %scan3A_32 = arith.constant 0 : i32
    %scan3A_33 = arith.constant 0 : i32
    %scan3A_34 = arith.constant 40 : i32
    %scan3A_35 = arith.addi %scan3A_33, %scan3A_34 : i32
    %scan3A_36 = arith.constant 1 : i32
    %scan3A_37 = scf.for %scan3A_46 = %scan3A_33 to %scan3A_35 step %scan3A_36 iter_args(%scan3A_47 = %scan3A_32) -> (i32)  : i32 {
      "tpu.region"() ({
        %run_scoped3A = tpu.sem_alloc : memref<!tpu.dma_semaphore, #tpu.memory_space<semaphore_mem>>
        %dma_start3A = arith.constant 0 : i32
        %dma_start3A_49 = tpu.memref_slice %arg4[%scan3A_46, %dma_start3A] : memref<40x128xi32, #tpu.memory_space<vmem>> -> memref<1x128xi32, #tpu.memory_space<vmem>>
        %dma_start3A_50 = tpu.memref_squeeze %dma_start3A_49 : memref<1x128xi32, #tpu.memory_space<vmem>> -> memref<128xi32, #tpu.memory_space<vmem>>
        %dma_start3A_51 = arith.constant 0 : i32
        %dma_start3A_52 = arith.constant 0 : i32
        %dma_start3A_53 = tpu.memref_slice %arg7[%dma_start3A_51, %dma_start3A_52] : memref<10240x16xf32, #tpu.memory_space<vmem_shared>> -> memref<10240x16xf32, #tpu.memory_space<vmem_shared>>
        tpu.enqueue_indirect_dma source(%arg5 : memref<128x16xf32, #tpu.memory_space<vmem>>) target(%dma_start3A_53 : memref<10240x16xf32, #tpu.memory_space<vmem_shared>>) offsets(%dma_start3A_50 : memref<128xi32, #tpu.memory_space<vmem>>) semaphore(%run_scoped3A : memref<!tpu.dma_semaphore, #tpu.memory_space<semaphore_mem>>) {add = true}
        %dma_wait3A = arith.constant 0 : i32
        %dma_wait3A_54 = tpu.memref_slice %arg4[%scan3A_46, %dma_wait3A] : memref<40x128xi32, #tpu.memory_space<vmem>> -> memref<1x128xi32, #tpu.memory_space<vmem>>
        %dma_wait3A_55 = tpu.memref_squeeze %dma_wait3A_54 : memref<1x128xi32, #tpu.memory_space<vmem>> -> memref<128xi32, #tpu.memory_space<vmem>>
        %dma_wait3A_56 = arith.constant 0 : i32
        %dma_wait3A_57 = arith.constant 0 : i32
        %dma_wait3A_58 = tpu.memref_slice %arg7[%dma_wait3A_56, %dma_wait3A_57] : memref<10240x16xf32, #tpu.memory_space<vmem_shared>> -> memref<10240x16xf32, #tpu.memory_space<vmem_shared>>
        tpu.wait_indirect_dma semaphore(%run_scoped3A : memref<!tpu.dma_semaphore, #tpu.memory_space<semaphore_mem>>) src(%arg5 : memref<128x16xf32, #tpu.memory_space<vmem>>) dst(%dma_wait3A_58 : memref<10240x16xf32, #tpu.memory_space<vmem_shared>>)
        tpu.yield
      }) : () -> ()
      %scan3A_48 = arith.constant 0 : i32
      scf.yield %scan3A_48 : i32
    }
    %scan3A_38 = arith.constant 40 : i32
    %barrier3A_39 = arith.constant 0 : index
    tpu.barrier barrier_id(%barrier3A_39)
    %lt3A = arith.constant 15 : i32
    %lt3A_40 = arith.cmpi slt, %arg1, %lt3A : i32
    %convert_element_type3A = arith.extui %lt3A_40 : i1 to i32
    %cond3A = arith.constant 0 : i32
    %cond3A_41 = arith.cmpi ne, %convert_element_type3A, %cond3A : i32
    scf.if %cond3A_41 {
      %mul3A_46 = arith.constant 640 : i32
      %mul3A_47 = arith.muli %arg1, %mul3A_46 : i32
      %mul3A_48 = arith.constant 640 : i32
      %mul3A_49 = arith.muli %arg1, %mul3A_48 : i32
      "tpu.region"() ({
        %run_scoped3A = tpu.sem_alloc : memref<!tpu.dma_semaphore, #tpu.memory_space<semaphore_mem>>
        %dma_start3A = arith.constant 0 : i32
        %dma_start3A_50 = tpu.memref_slice %arg3[%arg0, %mul3A_49, %dma_start3A] : memref<2x10000x16xf32, #tpu.memory_space<hbm>> -> memref<1x640x16xf32, #tpu.memory_space<hbm>>
        %dma_start3A_51 = tpu.memref_squeeze %dma_start3A_50 : memref<1x640x16xf32, #tpu.memory_space<hbm>> -> memref<640x16xf32, #tpu.memory_space<hbm>>
        %dma_start3A_52 = arith.constant 0 : i32
        %dma_start3A_53 = tpu.memref_slice %arg7[%mul3A_47, %dma_start3A_52] : memref<10240x16xf32, #tpu.memory_space<vmem_shared>> -> memref<640x16xf32, #tpu.memory_space<vmem_shared>>
        tpu.enqueue_dma source(%dma_start3A_53 : memref<640x16xf32, #tpu.memory_space<vmem_shared>>) target(%dma_start3A_51 : memref<640x16xf32, #tpu.memory_space<hbm>>) target_semaphore(%run_scoped3A : memref<!tpu.dma_semaphore, #tpu.memory_space<semaphore_mem>>)
        %dma_wait3A = arith.constant 0 : i32
        %dma_wait3A_54 = tpu.memref_slice %arg3[%arg0, %mul3A_49, %dma_wait3A] : memref<2x10000x16xf32, #tpu.memory_space<hbm>> -> memref<1x640x16xf32, #tpu.memory_space<hbm>>
        %dma_wait3A_55 = tpu.memref_squeeze %dma_wait3A_54 : memref<1x640x16xf32, #tpu.memory_space<hbm>> -> memref<640x16xf32, #tpu.memory_space<hbm>>
        %dma_wait3A_56 = arith.constant 0 : i32
        %dma_wait3A_57 = tpu.memref_slice %arg7[%mul3A_47, %dma_wait3A_56] : memref<10240x16xf32, #tpu.memory_space<vmem_shared>> -> memref<640x16xf32, #tpu.memory_space<vmem_shared>>
        tpu.wait_dma2 semaphore(%run_scoped3A : memref<!tpu.dma_semaphore, #tpu.memory_space<semaphore_mem>>) src(%dma_wait3A_57 : memref<640x16xf32, #tpu.memory_space<vmem_shared>>) dst(%dma_wait3A_55 : memref<640x16xf32, #tpu.memory_space<hbm>>)
        tpu.yield
      }) : () -> ()
    } else {
    }
    %eq3A = arith.constant 15 : i32
    %eq3A_42 = arith.cmpi eq, %arg1, %eq3A : i32
    %convert_element_type3A_43 = arith.extui %eq3A_42 : i1 to i32
    %cond3A_44 = arith.constant 0 : i32
    %cond3A_45 = arith.cmpi ne, %convert_element_type3A_43, %cond3A_44 : i32
    scf.if %cond3A_45 {
      "tpu.region"() ({
        %run_scoped3A = tpu.sem_alloc : memref<!tpu.dma_semaphore, #tpu.memory_space<semaphore_mem>>
        %dma_start3A = arith.constant 9600 : i32
        %dma_start3A_46 = arith.constant 0 : i32
        %dma_start3A_47 = tpu.memref_slice %arg3[%arg0, %dma_start3A, %dma_start3A_46] : memref<2x10000x16xf32, #tpu.memory_space<hbm>> -> memref<1x400x16xf32, #tpu.memory_space<hbm>>
        %dma_start3A_48 = tpu.memref_squeeze %dma_start3A_47 : memref<1x400x16xf32, #tpu.memory_space<hbm>> -> memref<400x16xf32, #tpu.memory_space<hbm>>
        %dma_start3A_49 = arith.constant 9600 : i32
        %dma_start3A_50 = arith.constant 0 : i32
        %dma_start3A_51 = tpu.memref_slice %arg7[%dma_start3A_49, %dma_start3A_50] : memref<10240x16xf32, #tpu.memory_space<vmem_shared>> -> memref<400x16xf32, #tpu.memory_space<vmem_shared>>
        tpu.enqueue_dma source(%dma_start3A_51 : memref<400x16xf32, #tpu.memory_space<vmem_shared>>) target(%dma_start3A_48 : memref<400x16xf32, #tpu.memory_space<hbm>>) target_semaphore(%run_scoped3A : memref<!tpu.dma_semaphore, #tpu.memory_space<semaphore_mem>>)
        %dma_wait3A = arith.constant 9600 : i32
        %dma_wait3A_52 = arith.constant 0 : i32
        %dma_wait3A_53 = tpu.memref_slice %arg3[%arg0, %dma_wait3A, %dma_wait3A_52] : memref<2x10000x16xf32, #tpu.memory_space<hbm>> -> memref<1x400x16xf32, #tpu.memory_space<hbm>>
        %dma_wait3A_54 = tpu.memref_squeeze %dma_wait3A_53 : memref<1x400x16xf32, #tpu.memory_space<hbm>> -> memref<400x16xf32, #tpu.memory_space<hbm>>
        %dma_wait3A_55 = arith.constant 9600 : i32
        %dma_wait3A_56 = arith.constant 0 : i32
        %dma_wait3A_57 = tpu.memref_slice %arg7[%dma_wait3A_55, %dma_wait3A_56] : memref<10240x16xf32, #tpu.memory_space<vmem_shared>> -> memref<400x16xf32, #tpu.memory_space<vmem_shared>>
        tpu.wait_dma2 semaphore(%run_scoped3A : memref<!tpu.dma_semaphore, #tpu.memory_space<semaphore_mem>>) src(%dma_wait3A_57 : memref<400x16xf32, #tpu.memory_space<vmem_shared>>) dst(%dma_wait3A_54 : memref<400x16xf32, #tpu.memory_space<hbm>>)
        tpu.yield
      }) : () -> ()
    } else {
    }
    return
  }
}

#map = affine_map<(d0, d1) -> (0, 0)>
#map1 = affine_map<(d0, d1) -> (0, 0, 0)>
module attributes {stable_mosaic.version = 14 : i64} {
  func.func @_scat_body(%arg0: i32, %arg1: i32, %arg2: memref<20000x128xf32, #tpu.memory_space<hbm>>, %arg3: memref<1280x128xi32, #tpu.memory_space<hbm>>, %arg4: memref<1280x128xi32, #tpu.memory_space<hbm>>, %arg5: memref<2x10000x128xf32, #tpu.memory_space<hbm>>, %arg6: memref<80x128xi32, #tpu.memory_space<vmem>>, %arg7: memref<80x128xi32, #tpu.memory_space<vmem>>, %arg8: memref<128x128xf32, #tpu.memory_space<vmem>>, %arg9: memref<10240x128xf32, #tpu.memory_space<vmem_shared>>, %arg10: memref<!tpu.dma_semaphore, #tpu.memory_space<semaphore_mem>>) attributes {dimension_semantics = [#tpu.dimension_semantics<core_parallel>, #tpu.dimension_semantics<subcore_parallel>], iteration_bounds = array<i64: 2, 16>, scalar_prefetch = 0 : i64, scratch_operands = 5 : i64, tpu.core_type = #tpu.core_type<sc_vector_subcore>, window_params = [{transform_indices = #map}, {transform_indices = #map}, {transform_indices = #map}, {transform_indices = #map1}]} {
    %broadcast_in_dim3A = arith.constant 0.000000e+00 : f32
    %broadcast_in_dim3A_0 = vector.broadcast %broadcast_in_dim3A : f32 to vector<16xf32>
    %scan3A = arith.constant 0 : i32
    %scan3A_1 = arith.constant 0 : i32
    %scan3A_2 = arith.constant 128 : i32
    %scan3A_3 = arith.addi %scan3A_1, %scan3A_2 : i32
    %scan3A_4 = arith.constant 1 : i32
    %scan3A_5 = scf.for %scan3A_53 = %scan3A_1 to %scan3A_3 step %scan3A_4 iter_args(%scan3A_54 = %scan3A) -> (i32)  : i32 {
      %swap3A = arith.index_cast %scan3A_53 : i32 to index
      %swap3A_55 = arith.constant 0 : index
      %swap3A_56 = tpu.vector_load %arg8[%swap3A, %swap3A_55] {strides = array<i32>} : memref<128x128xf32, #tpu.memory_space<vmem>>, vector<1x16xf32>,
      %swap3A_57 = vector.shape_cast %swap3A_56 : vector<1x16xf32> to vector<16xf32>
      %swap3A_58 = vector.shape_cast %broadcast_in_dim3A_0 : vector<16xf32> to vector<1x16xf32>
      tpu.vector_store %arg8[%swap3A, %swap3A_55], %swap3A_58 {strides = array<i32>} : memref<128x128xf32, #tpu.memory_space<vmem>>, vector<1x16xf32>,
      %swap3A_59 = arith.index_cast %scan3A_53 : i32 to index
      %swap3A_60 = arith.constant 16 : index
      %swap3A_61 = tpu.vector_load %arg8[%swap3A_59, %swap3A_60] {strides = array<i32>} : memref<128x128xf32, #tpu.memory_space<vmem>>, vector<1x16xf32>,
      %swap3A_62 = vector.shape_cast %swap3A_61 : vector<1x16xf32> to vector<16xf32>
      %swap3A_63 = vector.shape_cast %broadcast_in_dim3A_0 : vector<16xf32> to vector<1x16xf32>
      tpu.vector_store %arg8[%swap3A_59, %swap3A_60], %swap3A_63 {strides = array<i32>} : memref<128x128xf32, #tpu.memory_space<vmem>>, vector<1x16xf32>,
      %swap3A_64 = arith.index_cast %scan3A_53 : i32 to index
      %swap3A_65 = arith.constant 32 : index
      %swap3A_66 = tpu.vector_load %arg8[%swap3A_64, %swap3A_65] {strides = array<i32>} : memref<128x128xf32, #tpu.memory_space<vmem>>, vector<1x16xf32>,
      %swap3A_67 = vector.shape_cast %swap3A_66 : vector<1x16xf32> to vector<16xf32>
      %swap3A_68 = vector.shape_cast %broadcast_in_dim3A_0 : vector<16xf32> to vector<1x16xf32>
      tpu.vector_store %arg8[%swap3A_64, %swap3A_65], %swap3A_68 {strides = array<i32>} : memref<128x128xf32, #tpu.memory_space<vmem>>, vector<1x16xf32>,
      %swap3A_69 = arith.index_cast %scan3A_53 : i32 to index
      %swap3A_70 = arith.constant 48 : index
      %swap3A_71 = tpu.vector_load %arg8[%swap3A_69, %swap3A_70] {strides = array<i32>} : memref<128x128xf32, #tpu.memory_space<vmem>>, vector<1x16xf32>,
      %swap3A_72 = vector.shape_cast %swap3A_71 : vector<1x16xf32> to vector<16xf32>
      %swap3A_73 = vector.shape_cast %broadcast_in_dim3A_0 : vector<16xf32> to vector<1x16xf32>
      tpu.vector_store %arg8[%swap3A_69, %swap3A_70], %swap3A_73 {strides = array<i32>} : memref<128x128xf32, #tpu.memory_space<vmem>>, vector<1x16xf32>,
      %swap3A_74 = arith.index_cast %scan3A_53 : i32 to index
      %swap3A_75 = arith.constant 64 : index
      %swap3A_76 = tpu.vector_load %arg8[%swap3A_74, %swap3A_75] {strides = array<i32>} : memref<128x128xf32, #tpu.memory_space<vmem>>, vector<1x16xf32>,
      %swap3A_77 = vector.shape_cast %swap3A_76 : vector<1x16xf32> to vector<16xf32>
      %swap3A_78 = vector.shape_cast %broadcast_in_dim3A_0 : vector<16xf32> to vector<1x16xf32>
      tpu.vector_store %arg8[%swap3A_74, %swap3A_75], %swap3A_78 {strides = array<i32>} : memref<128x128xf32, #tpu.memory_space<vmem>>, vector<1x16xf32>,
      %swap3A_79 = arith.index_cast %scan3A_53 : i32 to index
      %swap3A_80 = arith.constant 80 : index
      %swap3A_81 = tpu.vector_load %arg8[%swap3A_79, %swap3A_80] {strides = array<i32>} : memref<128x128xf32, #tpu.memory_space<vmem>>, vector<1x16xf32>,
      %swap3A_82 = vector.shape_cast %swap3A_81 : vector<1x16xf32> to vector<16xf32>
      %swap3A_83 = vector.shape_cast %broadcast_in_dim3A_0 : vector<16xf32> to vector<1x16xf32>
      tpu.vector_store %arg8[%swap3A_79, %swap3A_80], %swap3A_83 {strides = array<i32>} : memref<128x128xf32, #tpu.memory_space<vmem>>, vector<1x16xf32>,
      %swap3A_84 = arith.index_cast %scan3A_53 : i32 to index
      %swap3A_85 = arith.constant 96 : index
      %swap3A_86 = tpu.vector_load %arg8[%swap3A_84, %swap3A_85] {strides = array<i32>} : memref<128x128xf32, #tpu.memory_space<vmem>>, vector<1x16xf32>,
      %swap3A_87 = vector.shape_cast %swap3A_86 : vector<1x16xf32> to vector<16xf32>
      %swap3A_88 = vector.shape_cast %broadcast_in_dim3A_0 : vector<16xf32> to vector<1x16xf32>
      tpu.vector_store %arg8[%swap3A_84, %swap3A_85], %swap3A_88 {strides = array<i32>} : memref<128x128xf32, #tpu.memory_space<vmem>>, vector<1x16xf32>,
      %swap3A_89 = arith.index_cast %scan3A_53 : i32 to index
      %swap3A_90 = arith.constant 112 : index
      %swap3A_91 = tpu.vector_load %arg8[%swap3A_89, %swap3A_90] {strides = array<i32>} : memref<128x128xf32, #tpu.memory_space<vmem>>, vector<1x16xf32>,
      %swap3A_92 = vector.shape_cast %swap3A_91 : vector<1x16xf32> to vector<16xf32>
      %swap3A_93 = vector.shape_cast %broadcast_in_dim3A_0 : vector<16xf32> to vector<1x16xf32>
      tpu.vector_store %arg8[%swap3A_89, %swap3A_90], %swap3A_93 {strides = array<i32>} : memref<128x128xf32, #tpu.memory_space<vmem>>, vector<1x16xf32>,
      %scan3A_94 = arith.constant 0 : i32
      scf.yield %scan3A_94 : i32
    }
    %scan3A_6 = arith.constant 128 : i32
    %mul3A = arith.constant 640 : i32
    %mul3A_7 = arith.muli %arg1, %mul3A : i32
    %add3A = arith.constant 0 : i32
    %add3A_8 = arith.addi %mul3A_7, %add3A : i32
    "tpu.region"() ({
      %run_scoped3A = tpu.sem_alloc : memref<!tpu.dma_semaphore, #tpu.memory_space<semaphore_mem>>
      %dma_start3A = arith.constant 0 : i32
      %dma_start3A_53 = tpu.memref_slice %arg9[%add3A_8, %dma_start3A] : memref<10240x128xf32, #tpu.memory_space<vmem_shared>> -> memref<128x128xf32, #tpu.memory_space<vmem_shared>>
      %dma_start3A_54 = arith.constant 0 : i32
      %dma_start3A_55 = tpu.memref_slice %arg9[%add3A_8, %dma_start3A_54] : memref<10240x128xf32, #tpu.memory_space<vmem_shared>> -> memref<128x128xf32, #tpu.memory_space<vmem_shared>>
      tpu.enqueue_dma source(%arg8 : memref<128x128xf32, #tpu.memory_space<vmem>>) target(%dma_start3A_55 : memref<128x128xf32, #tpu.memory_space<vmem_shared>>) target_semaphore(%run_scoped3A : memref<!tpu.dma_semaphore, #tpu.memory_space<semaphore_mem>>)
      %dma_wait3A = arith.constant 0 : i32
      %dma_wait3A_56 = tpu.memref_slice %arg9[%add3A_8, %dma_wait3A] : memref<10240x128xf32, #tpu.memory_space<vmem_shared>> -> memref<128x128xf32, #tpu.memory_space<vmem_shared>>
      %dma_wait3A_57 = arith.constant 0 : i32
      %dma_wait3A_58 = tpu.memref_slice %arg9[%add3A_8, %dma_wait3A_57] : memref<10240x128xf32, #tpu.memory_space<vmem_shared>> -> memref<128x128xf32, #tpu.memory_space<vmem_shared>>
      tpu.wait_dma2 semaphore(%run_scoped3A : memref<!tpu.dma_semaphore, #tpu.memory_space<semaphore_mem>>) src(%arg8 : memref<128x128xf32, #tpu.memory_space<vmem>>) dst(%dma_wait3A_58 : memref<128x128xf32, #tpu.memory_space<vmem_shared>>)
      tpu.yield
    }) : () -> ()
    %mul3A_9 = arith.constant 640 : i32
    %mul3A_10 = arith.muli %arg1, %mul3A_9 : i32
    %add3A_11 = arith.constant 128 : i32
    %add3A_12 = arith.addi %mul3A_10, %add3A_11 : i32
    "tpu.region"() ({
      %run_scoped3A = tpu.sem_alloc : memref<!tpu.dma_semaphore, #tpu.memory_space<semaphore_mem>>
      %dma_start3A = arith.constant 0 : i32
      %dma_start3A_53 = tpu.memref_slice %arg9[%add3A_12, %dma_start3A] : memref<10240x128xf32, #tpu.memory_space<vmem_shared>> -> memref<128x128xf32, #tpu.memory_space<vmem_shared>>
      %dma_start3A_54 = arith.constant 0 : i32
      %dma_start3A_55 = tpu.memref_slice %arg9[%add3A_12, %dma_start3A_54] : memref<10240x128xf32, #tpu.memory_space<vmem_shared>> -> memref<128x128xf32, #tpu.memory_space<vmem_shared>>
      tpu.enqueue_dma source(%arg8 : memref<128x128xf32, #tpu.memory_space<vmem>>) target(%dma_start3A_55 : memref<128x128xf32, #tpu.memory_space<vmem_shared>>) target_semaphore(%run_scoped3A : memref<!tpu.dma_semaphore, #tpu.memory_space<semaphore_mem>>)
      %dma_wait3A = arith.constant 0 : i32
      %dma_wait3A_56 = tpu.memref_slice %arg9[%add3A_12, %dma_wait3A] : memref<10240x128xf32, #tpu.memory_space<vmem_shared>> -> memref<128x128xf32, #tpu.memory_space<vmem_shared>>
      %dma_wait3A_57 = arith.constant 0 : i32
      %dma_wait3A_58 = tpu.memref_slice %arg9[%add3A_12, %dma_wait3A_57] : memref<10240x128xf32, #tpu.memory_space<vmem_shared>> -> memref<128x128xf32, #tpu.memory_space<vmem_shared>>
      tpu.wait_dma2 semaphore(%run_scoped3A : memref<!tpu.dma_semaphore, #tpu.memory_space<semaphore_mem>>) src(%arg8 : memref<128x128xf32, #tpu.memory_space<vmem>>) dst(%dma_wait3A_58 : memref<128x128xf32, #tpu.memory_space<vmem_shared>>)
      tpu.yield
    }) : () -> ()
    %mul3A_13 = arith.constant 640 : i32
    %mul3A_14 = arith.muli %arg1, %mul3A_13 : i32
    %add3A_15 = arith.constant 256 : i32
    %add3A_16 = arith.addi %mul3A_14, %add3A_15 : i32
    "tpu.region"() ({
      %run_scoped3A = tpu.sem_alloc : memref<!tpu.dma_semaphore, #tpu.memory_space<semaphore_mem>>
      %dma_start3A = arith.constant 0 : i32
      %dma_start3A_53 = tpu.memref_slice %arg9[%add3A_16, %dma_start3A] : memref<10240x128xf32, #tpu.memory_space<vmem_shared>> -> memref<128x128xf32, #tpu.memory_space<vmem_shared>>
      %dma_start3A_54 = arith.constant 0 : i32
      %dma_start3A_55 = tpu.memref_slice %arg9[%add3A_16, %dma_start3A_54] : memref<10240x128xf32, #tpu.memory_space<vmem_shared>> -> memref<128x128xf32, #tpu.memory_space<vmem_shared>>
      tpu.enqueue_dma source(%arg8 : memref<128x128xf32, #tpu.memory_space<vmem>>) target(%dma_start3A_55 : memref<128x128xf32, #tpu.memory_space<vmem_shared>>) target_semaphore(%run_scoped3A : memref<!tpu.dma_semaphore, #tpu.memory_space<semaphore_mem>>)
      %dma_wait3A = arith.constant 0 : i32
      %dma_wait3A_56 = tpu.memref_slice %arg9[%add3A_16, %dma_wait3A] : memref<10240x128xf32, #tpu.memory_space<vmem_shared>> -> memref<128x128xf32, #tpu.memory_space<vmem_shared>>
      %dma_wait3A_57 = arith.constant 0 : i32
      %dma_wait3A_58 = tpu.memref_slice %arg9[%add3A_16, %dma_wait3A_57] : memref<10240x128xf32, #tpu.memory_space<vmem_shared>> -> memref<128x128xf32, #tpu.memory_space<vmem_shared>>
      tpu.wait_dma2 semaphore(%run_scoped3A : memref<!tpu.dma_semaphore, #tpu.memory_space<semaphore_mem>>) src(%arg8 : memref<128x128xf32, #tpu.memory_space<vmem>>) dst(%dma_wait3A_58 : memref<128x128xf32, #tpu.memory_space<vmem_shared>>)
      tpu.yield
    }) : () -> ()
    %mul3A_17 = arith.constant 640 : i32
    %mul3A_18 = arith.muli %arg1, %mul3A_17 : i32
    %add3A_19 = arith.constant 384 : i32
    %add3A_20 = arith.addi %mul3A_18, %add3A_19 : i32
    "tpu.region"() ({
      %run_scoped3A = tpu.sem_alloc : memref<!tpu.dma_semaphore, #tpu.memory_space<semaphore_mem>>
      %dma_start3A = arith.constant 0 : i32
      %dma_start3A_53 = tpu.memref_slice %arg9[%add3A_20, %dma_start3A] : memref<10240x128xf32, #tpu.memory_space<vmem_shared>> -> memref<128x128xf32, #tpu.memory_space<vmem_shared>>
      %dma_start3A_54 = arith.constant 0 : i32
      %dma_start3A_55 = tpu.memref_slice %arg9[%add3A_20, %dma_start3A_54] : memref<10240x128xf32, #tpu.memory_space<vmem_shared>> -> memref<128x128xf32, #tpu.memory_space<vmem_shared>>
      tpu.enqueue_dma source(%arg8 : memref<128x128xf32, #tpu.memory_space<vmem>>) target(%dma_start3A_55 : memref<128x128xf32, #tpu.memory_space<vmem_shared>>) target_semaphore(%run_scoped3A : memref<!tpu.dma_semaphore, #tpu.memory_space<semaphore_mem>>)
      %dma_wait3A = arith.constant 0 : i32
      %dma_wait3A_56 = tpu.memref_slice %arg9[%add3A_20, %dma_wait3A] : memref<10240x128xf32, #tpu.memory_space<vmem_shared>> -> memref<128x128xf32, #tpu.memory_space<vmem_shared>>
      %dma_wait3A_57 = arith.constant 0 : i32
      %dma_wait3A_58 = tpu.memref_slice %arg9[%add3A_20, %dma_wait3A_57] : memref<10240x128xf32, #tpu.memory_space<vmem_shared>> -> memref<128x128xf32, #tpu.memory_space<vmem_shared>>
      tpu.wait_dma2 semaphore(%run_scoped3A : memref<!tpu.dma_semaphore, #tpu.memory_space<semaphore_mem>>) src(%arg8 : memref<128x128xf32, #tpu.memory_space<vmem>>) dst(%dma_wait3A_58 : memref<128x128xf32, #tpu.memory_space<vmem_shared>>)
      tpu.yield
    }) : () -> ()
    %mul3A_21 = arith.constant 640 : i32
    %mul3A_22 = arith.muli %arg1, %mul3A_21 : i32
    %add3A_23 = arith.constant 512 : i32
    %add3A_24 = arith.addi %mul3A_22, %add3A_23 : i32
    "tpu.region"() ({
      %run_scoped3A = tpu.sem_alloc : memref<!tpu.dma_semaphore, #tpu.memory_space<semaphore_mem>>
      %dma_start3A = arith.constant 0 : i32
      %dma_start3A_53 = tpu.memref_slice %arg9[%add3A_24, %dma_start3A] : memref<10240x128xf32, #tpu.memory_space<vmem_shared>> -> memref<128x128xf32, #tpu.memory_space<vmem_shared>>
      %dma_start3A_54 = arith.constant 0 : i32
      %dma_start3A_55 = tpu.memref_slice %arg9[%add3A_24, %dma_start3A_54] : memref<10240x128xf32, #tpu.memory_space<vmem_shared>> -> memref<128x128xf32, #tpu.memory_space<vmem_shared>>
      tpu.enqueue_dma source(%arg8 : memref<128x128xf32, #tpu.memory_space<vmem>>) target(%dma_start3A_55 : memref<128x128xf32, #tpu.memory_space<vmem_shared>>) target_semaphore(%run_scoped3A : memref<!tpu.dma_semaphore, #tpu.memory_space<semaphore_mem>>)
      %dma_wait3A = arith.constant 0 : i32
      %dma_wait3A_56 = tpu.memref_slice %arg9[%add3A_24, %dma_wait3A] : memref<10240x128xf32, #tpu.memory_space<vmem_shared>> -> memref<128x128xf32, #tpu.memory_space<vmem_shared>>
      %dma_wait3A_57 = arith.constant 0 : i32
      %dma_wait3A_58 = tpu.memref_slice %arg9[%add3A_24, %dma_wait3A_57] : memref<10240x128xf32, #tpu.memory_space<vmem_shared>> -> memref<128x128xf32, #tpu.memory_space<vmem_shared>>
      tpu.wait_dma2 semaphore(%run_scoped3A : memref<!tpu.dma_semaphore, #tpu.memory_space<semaphore_mem>>) src(%arg8 : memref<128x128xf32, #tpu.memory_space<vmem>>) dst(%dma_wait3A_58 : memref<128x128xf32, #tpu.memory_space<vmem_shared>>)
      tpu.yield
    }) : () -> ()
    %mul3A_25 = arith.constant 80 : i32
    %mul3A_26 = arith.muli %arg1, %mul3A_25 : i32
    "tpu.region"() ({
      %run_scoped3A = tpu.sem_alloc : memref<!tpu.dma_semaphore, #tpu.memory_space<semaphore_mem>>
      %dma_start3A = arith.constant 0 : i32
      %dma_start3A_53 = tpu.memref_slice %arg3[%mul3A_26, %dma_start3A] : memref<1280x128xi32, #tpu.memory_space<hbm>> -> memref<80x128xi32, #tpu.memory_space<hbm>>
      %dma_start3A_54 = arith.constant 0 : i32
      %dma_start3A_55 = tpu.memref_slice %arg3[%mul3A_26, %dma_start3A_54] : memref<1280x128xi32, #tpu.memory_space<hbm>> -> memref<80x128xi32, #tpu.memory_space<hbm>>
      tpu.enqueue_dma source(%dma_start3A_55 : memref<80x128xi32, #tpu.memory_space<hbm>>) target(%arg6 : memref<80x128xi32, #tpu.memory_space<vmem>>) target_semaphore(%run_scoped3A : memref<!tpu.dma_semaphore, #tpu.memory_space<semaphore_mem>>)
      %dma_wait3A = arith.constant 0 : i32
      %dma_wait3A_56 = tpu.memref_slice %arg3[%mul3A_26, %dma_wait3A] : memref<1280x128xi32, #tpu.memory_space<hbm>> -> memref<80x128xi32, #tpu.memory_space<hbm>>
      %dma_wait3A_57 = arith.constant 0 : i32
      %dma_wait3A_58 = tpu.memref_slice %arg3[%mul3A_26, %dma_wait3A_57] : memref<1280x128xi32, #tpu.memory_space<hbm>> -> memref<80x128xi32, #tpu.memory_space<hbm>>
      tpu.wait_dma2 semaphore(%run_scoped3A : memref<!tpu.dma_semaphore, #tpu.memory_space<semaphore_mem>>) src(%dma_wait3A_58 : memref<80x128xi32, #tpu.memory_space<hbm>>) dst(%arg6 : memref<80x128xi32, #tpu.memory_space<vmem>>)
      tpu.yield
    }) : () -> ()
    %mul3A_27 = arith.constant 80 : i32
    %mul3A_28 = arith.muli %arg1, %mul3A_27 : i32
    "tpu.region"() ({
      %run_scoped3A = tpu.sem_alloc : memref<!tpu.dma_semaphore, #tpu.memory_space<semaphore_mem>>
      %dma_start3A = arith.constant 0 : i32
      %dma_start3A_53 = tpu.memref_slice %arg4[%mul3A_28, %dma_start3A] : memref<1280x128xi32, #tpu.memory_space<hbm>> -> memref<80x128xi32, #tpu.memory_space<hbm>>
      %dma_start3A_54 = arith.constant 0 : i32
      %dma_start3A_55 = tpu.memref_slice %arg4[%mul3A_28, %dma_start3A_54] : memref<1280x128xi32, #tpu.memory_space<hbm>> -> memref<80x128xi32, #tpu.memory_space<hbm>>
      tpu.enqueue_dma source(%dma_start3A_55 : memref<80x128xi32, #tpu.memory_space<hbm>>) target(%arg7 : memref<80x128xi32, #tpu.memory_space<vmem>>) target_semaphore(%run_scoped3A : memref<!tpu.dma_semaphore, #tpu.memory_space<semaphore_mem>>)
      %dma_wait3A = arith.constant 0 : i32
      %dma_wait3A_56 = tpu.memref_slice %arg4[%mul3A_28, %dma_wait3A] : memref<1280x128xi32, #tpu.memory_space<hbm>> -> memref<80x128xi32, #tpu.memory_space<hbm>>
      %dma_wait3A_57 = arith.constant 0 : i32
      %dma_wait3A_58 = tpu.memref_slice %arg4[%mul3A_28, %dma_wait3A_57] : memref<1280x128xi32, #tpu.memory_space<hbm>> -> memref<80x128xi32, #tpu.memory_space<hbm>>
      tpu.wait_dma2 semaphore(%run_scoped3A : memref<!tpu.dma_semaphore, #tpu.memory_space<semaphore_mem>>) src(%dma_wait3A_58 : memref<80x128xi32, #tpu.memory_space<hbm>>) dst(%arg7 : memref<80x128xi32, #tpu.memory_space<vmem>>)
      tpu.yield
    }) : () -> ()
    %mul3A_29 = arith.constant 10000 : i32
    %mul3A_30 = arith.muli %arg0, %mul3A_29 : i32
    %broadcast_in_dim3A_31 = vector.broadcast %mul3A_30 : i32 to vector<16xi32>
    %scan3A_32 = arith.constant 0 : i32
    %scan3A_33 = arith.constant 0 : i32
    %scan3A_34 = arith.constant 80 : i32
    %scan3A_35 = arith.addi %scan3A_33, %scan3A_34 : i32
    %scan3A_36 = arith.constant 1 : i32
    %scan3A_37 = scf.for %scan3A_53 = %scan3A_33 to %scan3A_35 step %scan3A_36 iter_args(%scan3A_54 = %scan3A_32) -> (i32)  : i32 {
      %get3A = arith.index_cast %scan3A_53 : i32 to index
      %get3A_55 = arith.constant 0 : index
      %get3A_56 = tpu.vector_load %arg6[%get3A, %get3A_55] {strides = array<i32>} : memref<80x128xi32, #tpu.memory_space<vmem>>, vector<1x16xi32>,
      %get3A_57 = vector.shape_cast %get3A_56 : vector<1x16xi32> to vector<16xi32>
      %add3A_58 = arith.addi %get3A_57, %broadcast_in_dim3A_31 : vector<16xi32>
      %swap3A = arith.index_cast %scan3A_53 : i32 to index
      %swap3A_59 = arith.constant 0 : index
      %swap3A_60 = tpu.vector_load %arg6[%swap3A, %swap3A_59] {strides = array<i32>} : memref<80x128xi32, #tpu.memory_space<vmem>>, vector<1x16xi32>,
      %swap3A_61 = vector.shape_cast %swap3A_60 : vector<1x16xi32> to vector<16xi32>
      %swap3A_62 = vector.shape_cast %add3A_58 : vector<16xi32> to vector<1x16xi32>
      tpu.vector_store %arg6[%swap3A, %swap3A_59], %swap3A_62 {strides = array<i32>} : memref<80x128xi32, #tpu.memory_space<vmem>>, vector<1x16xi32>,
      %get3A_63 = arith.index_cast %scan3A_53 : i32 to index
      %get3A_64 = arith.constant 16 : index
      %get3A_65 = tpu.vector_load %arg6[%get3A_63, %get3A_64] {strides = array<i32>} : memref<80x128xi32, #tpu.memory_space<vmem>>, vector<1x16xi32>,
      %get3A_66 = vector.shape_cast %get3A_65 : vector<1x16xi32> to vector<16xi32>
      %add3A_67 = arith.addi %get3A_66, %broadcast_in_dim3A_31 : vector<16xi32>
      %swap3A_68 = arith.index_cast %scan3A_53 : i32 to index
      %swap3A_69 = arith.constant 16 : index
      %swap3A_70 = tpu.vector_load %arg6[%swap3A_68, %swap3A_69] {strides = array<i32>} : memref<80x128xi32, #tpu.memory_space<vmem>>, vector<1x16xi32>,
      %swap3A_71 = vector.shape_cast %swap3A_70 : vector<1x16xi32> to vector<16xi32>
      %swap3A_72 = vector.shape_cast %add3A_67 : vector<16xi32> to vector<1x16xi32>
      tpu.vector_store %arg6[%swap3A_68, %swap3A_69], %swap3A_72 {strides = array<i32>} : memref<80x128xi32, #tpu.memory_space<vmem>>, vector<1x16xi32>,
      %get3A_73 = arith.index_cast %scan3A_53 : i32 to index
      %get3A_74 = arith.constant 32 : index
      %get3A_75 = tpu.vector_load %arg6[%get3A_73, %get3A_74] {strides = array<i32>} : memref<80x128xi32, #tpu.memory_space<vmem>>, vector<1x16xi32>,
      %get3A_76 = vector.shape_cast %get3A_75 : vector<1x16xi32> to vector<16xi32>
      %add3A_77 = arith.addi %get3A_76, %broadcast_in_dim3A_31 : vector<16xi32>
      %swap3A_78 = arith.index_cast %scan3A_53 : i32 to index
      %swap3A_79 = arith.constant 32 : index
      %swap3A_80 = tpu.vector_load %arg6[%swap3A_78, %swap3A_79] {strides = array<i32>} : memref<80x128xi32, #tpu.memory_space<vmem>>, vector<1x16xi32>,
      %swap3A_81 = vector.shape_cast %swap3A_80 : vector<1x16xi32> to vector<16xi32>
      %swap3A_82 = vector.shape_cast %add3A_77 : vector<16xi32> to vector<1x16xi32>
      tpu.vector_store %arg6[%swap3A_78, %swap3A_79], %swap3A_82 {strides = array<i32>} : memref<80x128xi32, #tpu.memory_space<vmem>>, vector<1x16xi32>,
      %get3A_83 = arith.index_cast %scan3A_53 : i32 to index
      %get3A_84 = arith.constant 48 : index
      %get3A_85 = tpu.vector_load %arg6[%get3A_83, %get3A_84] {strides = array<i32>} : memref<80x128xi32, #tpu.memory_space<vmem>>, vector<1x16xi32>,
      %get3A_86 = vector.shape_cast %get3A_85 : vector<1x16xi32> to vector<16xi32>
      %add3A_87 = arith.addi %get3A_86, %broadcast_in_dim3A_31 : vector<16xi32>
      %swap3A_88 = arith.index_cast %scan3A_53 : i32 to index
      %swap3A_89 = arith.constant 48 : index
      %swap3A_90 = tpu.vector_load %arg6[%swap3A_88, %swap3A_89] {strides = array<i32>} : memref<80x128xi32, #tpu.memory_space<vmem>>, vector<1x16xi32>,
      %swap3A_91 = vector.shape_cast %swap3A_90 : vector<1x16xi32> to vector<16xi32>
      %swap3A_92 = vector.shape_cast %add3A_87 : vector<16xi32> to vector<1x16xi32>
      tpu.vector_store %arg6[%swap3A_88, %swap3A_89], %swap3A_92 {strides = array<i32>} : memref<80x128xi32, #tpu.memory_space<vmem>>, vector<1x16xi32>,
      %get3A_93 = arith.index_cast %scan3A_53 : i32 to index
      %get3A_94 = arith.constant 64 : index
      %get3A_95 = tpu.vector_load %arg6[%get3A_93, %get3A_94] {strides = array<i32>} : memref<80x128xi32, #tpu.memory_space<vmem>>, vector<1x16xi32>,
      %get3A_96 = vector.shape_cast %get3A_95 : vector<1x16xi32> to vector<16xi32>
      %add3A_97 = arith.addi %get3A_96, %broadcast_in_dim3A_31 : vector<16xi32>
      %swap3A_98 = arith.index_cast %scan3A_53 : i32 to index
      %swap3A_99 = arith.constant 64 : index
      %swap3A_100 = tpu.vector_load %arg6[%swap3A_98, %swap3A_99] {strides = array<i32>} : memref<80x128xi32, #tpu.memory_space<vmem>>, vector<1x16xi32>,
      %swap3A_101 = vector.shape_cast %swap3A_100 : vector<1x16xi32> to vector<16xi32>
      %swap3A_102 = vector.shape_cast %add3A_97 : vector<16xi32> to vector<1x16xi32>
      tpu.vector_store %arg6[%swap3A_98, %swap3A_99], %swap3A_102 {strides = array<i32>} : memref<80x128xi32, #tpu.memory_space<vmem>>, vector<1x16xi32>,
      %get3A_103 = arith.index_cast %scan3A_53 : i32 to index
      %get3A_104 = arith.constant 80 : index
      %get3A_105 = tpu.vector_load %arg6[%get3A_103, %get3A_104] {strides = array<i32>} : memref<80x128xi32, #tpu.memory_space<vmem>>, vector<1x16xi32>,
      %get3A_106 = vector.shape_cast %get3A_105 : vector<1x16xi32> to vector<16xi32>
      %add3A_107 = arith.addi %get3A_106, %broadcast_in_dim3A_31 : vector<16xi32>
      %swap3A_108 = arith.index_cast %scan3A_53 : i32 to index
      %swap3A_109 = arith.constant 80 : index
      %swap3A_110 = tpu.vector_load %arg6[%swap3A_108, %swap3A_109] {strides = array<i32>} : memref<80x128xi32, #tpu.memory_space<vmem>>, vector<1x16xi32>,
      %swap3A_111 = vector.shape_cast %swap3A_110 : vector<1x16xi32> to vector<16xi32>
      %swap3A_112 = vector.shape_cast %add3A_107 : vector<16xi32> to vector<1x16xi32>
      tpu.vector_store %arg6[%swap3A_108, %swap3A_109], %swap3A_112 {strides = array<i32>} : memref<80x128xi32, #tpu.memory_space<vmem>>, vector<1x16xi32>,
      %get3A_113 = arith.index_cast %scan3A_53 : i32 to index
      %get3A_114 = arith.constant 96 : index
      %get3A_115 = tpu.vector_load %arg6[%get3A_113, %get3A_114] {strides = array<i32>} : memref<80x128xi32, #tpu.memory_space<vmem>>, vector<1x16xi32>,
      %get3A_116 = vector.shape_cast %get3A_115 : vector<1x16xi32> to vector<16xi32>
      %add3A_117 = arith.addi %get3A_116, %broadcast_in_dim3A_31 : vector<16xi32>
      %swap3A_118 = arith.index_cast %scan3A_53 : i32 to index
      %swap3A_119 = arith.constant 96 : index
      %swap3A_120 = tpu.vector_load %arg6[%swap3A_118, %swap3A_119] {strides = array<i32>} : memref<80x128xi32, #tpu.memory_space<vmem>>, vector<1x16xi32>,
      %swap3A_121 = vector.shape_cast %swap3A_120 : vector<1x16xi32> to vector<16xi32>
      %swap3A_122 = vector.shape_cast %add3A_117 : vector<16xi32> to vector<1x16xi32>
      tpu.vector_store %arg6[%swap3A_118, %swap3A_119], %swap3A_122 {strides = array<i32>} : memref<80x128xi32, #tpu.memory_space<vmem>>, vector<1x16xi32>,
      %get3A_123 = arith.index_cast %scan3A_53 : i32 to index
      %get3A_124 = arith.constant 112 : index
      %get3A_125 = tpu.vector_load %arg6[%get3A_123, %get3A_124] {strides = array<i32>} : memref<80x128xi32, #tpu.memory_space<vmem>>, vector<1x16xi32>,
      %get3A_126 = vector.shape_cast %get3A_125 : vector<1x16xi32> to vector<16xi32>
      %add3A_127 = arith.addi %get3A_126, %broadcast_in_dim3A_31 : vector<16xi32>
      %swap3A_128 = arith.index_cast %scan3A_53 : i32 to index
      %swap3A_129 = arith.constant 112 : index
      %swap3A_130 = tpu.vector_load %arg6[%swap3A_128, %swap3A_129] {strides = array<i32>} : memref<80x128xi32, #tpu.memory_space<vmem>>, vector<1x16xi32>,
      %swap3A_131 = vector.shape_cast %swap3A_130 : vector<1x16xi32> to vector<16xi32>
      %swap3A_132 = vector.shape_cast %add3A_127 : vector<16xi32> to vector<1x16xi32>
      tpu.vector_store %arg6[%swap3A_128, %swap3A_129], %swap3A_132 {strides = array<i32>} : memref<80x128xi32, #tpu.memory_space<vmem>>, vector<1x16xi32>,
      %scan3A_133 = arith.constant 0 : i32
      scf.yield %scan3A_133 : i32
    }
    %scan3A_38 = arith.constant 80 : i32
    %barrier3A = arith.constant 0 : index
    tpu.barrier barrier_id(%barrier3A)
    %scan3A_39 = arith.constant 0 : i32
    %scan3A_40 = arith.constant 0 : i32
    %scan3A_41 = arith.constant 80 : i32
    %scan3A_42 = arith.addi %scan3A_40, %scan3A_41 : i32
    %scan3A_43 = arith.constant 1 : i32
    %scan3A_44 = scf.for %scan3A_53 = %scan3A_40 to %scan3A_42 step %scan3A_43 iter_args(%scan3A_54 = %scan3A_39) -> (i32)  : i32 {
      %dma_start3A = arith.constant 0 : i32
      %dma_start3A_55 = tpu.memref_slice %arg6[%scan3A_53, %dma_start3A] : memref<80x128xi32, #tpu.memory_space<vmem>> -> memref<1x128xi32, #tpu.memory_space<vmem>>
      %dma_start3A_56 = tpu.memref_squeeze %dma_start3A_55 : memref<1x128xi32, #tpu.memory_space<vmem>> -> memref<128xi32, #tpu.memory_space<vmem>>
      %dma_start3A_57 = arith.constant 0 : i32
      %dma_start3A_58 = arith.constant 0 : i32
      %dma_start3A_59 = tpu.memref_slice %arg2[%dma_start3A_57, %dma_start3A_58] : memref<20000x128xf32, #tpu.memory_space<hbm>> -> memref<20000x128xf32, #tpu.memory_space<hbm>>
      tpu.enqueue_indirect_dma source(%dma_start3A_59 : memref<20000x128xf32, #tpu.memory_space<hbm>>) target(%arg8 : memref<128x128xf32, #tpu.memory_space<vmem>>) offsets(%dma_start3A_56 : memref<128xi32, #tpu.memory_space<vmem>>) semaphore(%arg10 : memref<!tpu.dma_semaphore, #tpu.memory_space<semaphore_mem>>)
      %dma_wait3A = arith.constant 0 : i32
      %dma_wait3A_60 = tpu.memref_slice %arg6[%scan3A_53, %dma_wait3A] : memref<80x128xi32, #tpu.memory_space<vmem>> -> memref<1x128xi32, #tpu.memory_space<vmem>>
      %dma_wait3A_61 = tpu.memref_squeeze %dma_wait3A_60 : memref<1x128xi32, #tpu.memory_space<vmem>> -> memref<128xi32, #tpu.memory_space<vmem>>
      %dma_wait3A_62 = arith.constant 0 : i32
      %dma_wait3A_63 = arith.constant 0 : i32
      %dma_wait3A_64 = tpu.memref_slice %arg2[%dma_wait3A_62, %dma_wait3A_63] : memref<20000x128xf32, #tpu.memory_space<hbm>> -> memref<20000x128xf32, #tpu.memory_space<hbm>>
      tpu.wait_indirect_dma semaphore(%arg10 : memref<!tpu.dma_semaphore, #tpu.memory_space<semaphore_mem>>) src(%dma_wait3A_64 : memref<20000x128xf32, #tpu.memory_space<hbm>>) dst(%arg8 : memref<128x128xf32, #tpu.memory_space<vmem>>)
      "tpu.region"() ({
        %run_scoped3A = tpu.sem_alloc : memref<!tpu.dma_semaphore, #tpu.memory_space<semaphore_mem>>
        %dma_start3A_66 = arith.constant 0 : i32
        %dma_start3A_67 = tpu.memref_slice %arg7[%scan3A_53, %dma_start3A_66] : memref<80x128xi32, #tpu.memory_space<vmem>> -> memref<1x128xi32, #tpu.memory_space<vmem>>
        %dma_start3A_68 = tpu.memref_squeeze %dma_start3A_67 : memref<1x128xi32, #tpu.memory_space<vmem>> -> memref<128xi32, #tpu.memory_space<vmem>>
        %dma_start3A_69 = arith.constant 0 : i32
        %dma_start3A_70 = arith.constant 0 : i32
        %dma_start3A_71 = tpu.memref_slice %arg9[%dma_start3A_69, %dma_start3A_70] : memref<10240x128xf32, #tpu.memory_space<vmem_shared>> -> memref<10240x128xf32, #tpu.memory_space<vmem_shared>>
        tpu.enqueue_indirect_dma source(%arg8 : memref<128x128xf32, #tpu.memory_space<vmem>>) target(%dma_start3A_71 : memref<10240x128xf32, #tpu.memory_space<vmem_shared>>) offsets(%dma_start3A_68 : memref<128xi32, #tpu.memory_space<vmem>>) semaphore(%run_scoped3A : memref<!tpu.dma_semaphore, #tpu.memory_space<semaphore_mem>>) {add = true}
        %dma_wait3A_72 = arith.constant 0 : i32
        %dma_wait3A_73 = tpu.memref_slice %arg7[%scan3A_53, %dma_wait3A_72] : memref<80x128xi32, #tpu.memory_space<vmem>> -> memref<1x128xi32, #tpu.memory_space<vmem>>
        %dma_wait3A_74 = tpu.memref_squeeze %dma_wait3A_73 : memref<1x128xi32, #tpu.memory_space<vmem>> -> memref<128xi32, #tpu.memory_space<vmem>>
        %dma_wait3A_75 = arith.constant 0 : i32
        %dma_wait3A_76 = arith.constant 0 : i32
        %dma_wait3A_77 = tpu.memref_slice %arg9[%dma_wait3A_75, %dma_wait3A_76] : memref<10240x128xf32, #tpu.memory_space<vmem_shared>> -> memref<10240x128xf32, #tpu.memory_space<vmem_shared>>
        tpu.wait_indirect_dma semaphore(%run_scoped3A : memref<!tpu.dma_semaphore, #tpu.memory_space<semaphore_mem>>) src(%arg8 : memref<128x128xf32, #tpu.memory_space<vmem>>) dst(%dma_wait3A_77 : memref<10240x128xf32, #tpu.memory_space<vmem_shared>>)
        tpu.yield
      }) : () -> ()
      %scan3A_65 = arith.constant 0 : i32
      scf.yield %scan3A_65 : i32
    }
    %scan3A_45 = arith.constant 80 : i32
    %barrier3A_46 = arith.constant 0 : index
    tpu.barrier barrier_id(%barrier3A_46)
    %lt3A = arith.constant 15 : i32
    %lt3A_47 = arith.cmpi slt, %arg1, %lt3A : i32
    %convert_element_type3A = arith.extui %lt3A_47 : i1 to i32
    %cond3A = arith.constant 0 : i32
    %cond3A_48 = arith.cmpi ne, %convert_element_type3A, %cond3A : i32
    scf.if %cond3A_48 {
      %mul3A_53 = arith.constant 640 : i32
      %mul3A_54 = arith.muli %arg1, %mul3A_53 : i32
      %mul3A_55 = arith.constant 640 : i32
      %mul3A_56 = arith.muli %arg1, %mul3A_55 : i32
      "tpu.region"() ({
        %run_scoped3A = tpu.sem_alloc : memref<!tpu.dma_semaphore, #tpu.memory_space<semaphore_mem>>
        %dma_start3A = arith.constant 0 : i32
        %dma_start3A_57 = tpu.memref_slice %arg5[%arg0, %mul3A_56, %dma_start3A] : memref<2x10000x128xf32, #tpu.memory_space<hbm>> -> memref<1x640x128xf32, #tpu.memory_space<hbm>>
        %dma_start3A_58 = tpu.memref_squeeze %dma_start3A_57 : memref<1x640x128xf32, #tpu.memory_space<hbm>> -> memref<640x128xf32, #tpu.memory_space<hbm>>
        %dma_start3A_59 = arith.constant 0 : i32
        %dma_start3A_60 = tpu.memref_slice %arg9[%mul3A_54, %dma_start3A_59] : memref<10240x128xf32, #tpu.memory_space<vmem_shared>> -> memref<640x128xf32, #tpu.memory_space<vmem_shared>>
        tpu.enqueue_dma source(%dma_start3A_60 : memref<640x128xf32, #tpu.memory_space<vmem_shared>>) target(%dma_start3A_58 : memref<640x128xf32, #tpu.memory_space<hbm>>) target_semaphore(%run_scoped3A : memref<!tpu.dma_semaphore, #tpu.memory_space<semaphore_mem>>)
        %dma_wait3A = arith.constant 0 : i32
        %dma_wait3A_61 = tpu.memref_slice %arg5[%arg0, %mul3A_56, %dma_wait3A] : memref<2x10000x128xf32, #tpu.memory_space<hbm>> -> memref<1x640x128xf32, #tpu.memory_space<hbm>>
        %dma_wait3A_62 = tpu.memref_squeeze %dma_wait3A_61 : memref<1x640x128xf32, #tpu.memory_space<hbm>> -> memref<640x128xf32, #tpu.memory_space<hbm>>
        %dma_wait3A_63 = arith.constant 0 : i32
        %dma_wait3A_64 = tpu.memref_slice %arg9[%mul3A_54, %dma_wait3A_63] : memref<10240x128xf32, #tpu.memory_space<vmem_shared>> -> memref<640x128xf32, #tpu.memory_space<vmem_shared>>
        tpu.wait_dma2 semaphore(%run_scoped3A : memref<!tpu.dma_semaphore, #tpu.memory_space<semaphore_mem>>) src(%dma_wait3A_64 : memref<640x128xf32, #tpu.memory_space<vmem_shared>>) dst(%dma_wait3A_62 : memref<640x128xf32, #tpu.memory_space<hbm>>)
        tpu.yield
      }) : () -> ()
    } else {
    }
    %eq3A = arith.constant 15 : i32
    %eq3A_49 = arith.cmpi eq, %arg1, %eq3A : i32
    %convert_element_type3A_50 = arith.extui %eq3A_49 : i1 to i32
    %cond3A_51 = arith.constant 0 : i32
    %cond3A_52 = arith.cmpi ne, %convert_element_type3A_50, %cond3A_51 : i32
    scf.if %cond3A_52 {
      "tpu.region"() ({
        %run_scoped3A = tpu.sem_alloc : memref<!tpu.dma_semaphore, #tpu.memory_space<semaphore_mem>>
        %dma_start3A = arith.constant 9600 : i32
        %dma_start3A_53 = arith.constant 0 : i32
        %dma_start3A_54 = tpu.memref_slice %arg5[%arg0, %dma_start3A, %dma_start3A_53] : memref<2x10000x128xf32, #tpu.memory_space<hbm>> -> memref<1x400x128xf32, #tpu.memory_space<hbm>>
        %dma_start3A_55 = tpu.memref_squeeze %dma_start3A_54 : memref<1x400x128xf32, #tpu.memory_space<hbm>> -> memref<400x128xf32, #tpu.memory_space<hbm>>
        %dma_start3A_56 = arith.constant 9600 : i32
        %dma_start3A_57 = arith.constant 0 : i32
        %dma_start3A_58 = tpu.memref_slice %arg9[%dma_start3A_56, %dma_start3A_57] : memref<10240x128xf32, #tpu.memory_space<vmem_shared>> -> memref<400x128xf32, #tpu.memory_space<vmem_shared>>
        tpu.enqueue_dma source(%dma_start3A_58 : memref<400x128xf32, #tpu.memory_space<vmem_shared>>) target(%dma_start3A_55 : memref<400x128xf32, #tpu.memory_space<hbm>>) target_semaphore(%run_scoped3A : memref<!tpu.dma_semaphore, #tpu.memory_space<semaphore_mem>>)
        %dma_wait3A = arith.constant 9600 : i32
        %dma_wait3A_59 = arith.constant 0 : i32
        %dma_wait3A_60 = tpu.memref_slice %arg5[%arg0, %dma_wait3A, %dma_wait3A_59] : memref<2x10000x128xf32, #tpu.memory_space<hbm>> -> memref<1x400x128xf32, #tpu.memory_space<hbm>>
        %dma_wait3A_61 = tpu.memref_squeeze %dma_wait3A_60 : memref<1x400x128xf32, #tpu.memory_space<hbm>> -> memref<400x128xf32, #tpu.memory_space<hbm>>
        %dma_wait3A_62 = arith.constant 9600 : i32
        %dma_wait3A_63 = arith.constant 0 : i32
        %dma_wait3A_64 = tpu.memref_slice %arg9[%dma_wait3A_62, %dma_wait3A_63] : memref<10240x128xf32, #tpu.memory_space<vmem_shared>> -> memref<400x128xf32, #tpu.memory_space<vmem_shared>>
        tpu.wait_dma2 semaphore(%run_scoped3A : memref<!tpu.dma_semaphore, #tpu.memory_space<semaphore_mem>>) src(%dma_wait3A_64 : memref<400x128xf32, #tpu.memory_space<vmem_shared>>) dst(%dma_wait3A_61 : memref<400x128xf32, #tpu.memory_space<hbm>>)
        tpu.yield
      }) : () -> ()
    } else {
    }
    return
  }
}

module attributes {stable_mosaic.version = 14 : i64} {
  func.func @_tc1_body(%arg0: i32, %arg1: memref<400x256xf32, #tpu.memory_space<vmem>>, %arg2: memref<256x256xf32, #tpu.memory_space<vmem>>, %arg3: memref<2x10000x16xf32, #tpu.memory_space<vmem>>, %arg4: memref<2x400x128xf32, #tpu.memory_space<vmem>>) attributes {dimension_semantics = [#tpu.dimension_semantics<arbitrary>], iteration_bounds = array<i64: 25>, scalar_prefetch = 0 : i64, scratch_operands = 0 : i64, tpu.core_type = #tpu.core_type<tc>, window_params = [{transform_indices = @transform_0, window_bounds = array<i64: 400, 256>}, {pipeline_mode = #tpu.pipeline_mode<synchronous>, transform_indices = @transform_1, window_bounds = array<i64: 256, 256>}, {pipeline_mode = #tpu.pipeline_mode<synchronous>, transform_indices = @transform_2, window_bounds = array<i64: 2, 10000, 16>}, {transform_indices = @transform_3, window_bounds = array<i64: 2, 400, 128>}]} {
    %mul3A = arith.constant 400 : i32
    %mul3A_0 = arith.muli %arg0, %mul3A : i32
    %get3A = arith.constant 0 : index
    %get3A_1 = arith.index_cast %mul3A_0 : i32 to index
    %get3A_2 = arith.constant 0 : index
    %get3A_3 = vector.load %arg3[%get3A, %get3A_1, %get3A_2] : memref<2x10000x16xf32, #tpu.memory_space<vmem>>, vector<1x400x16xf32>
    %get3A_4 = vector.shape_cast %get3A_3 : vector<1x400x16xf32> to vector<400x16xf32>
    %mul3A_5 = arith.constant 400 : i32
    %mul3A_6 = arith.muli %arg0, %mul3A_5 : i32
    %get3A_7 = arith.constant 1 : index
    %get3A_8 = arith.index_cast %mul3A_6 : i32 to index
    %get3A_9 = arith.constant 0 : index
    %get3A_10 = vector.load %arg3[%get3A_7, %get3A_8, %get3A_9] : memref<2x10000x16xf32, #tpu.memory_space<vmem>>, vector<1x400x16xf32>
    %get3A_11 = vector.shape_cast %get3A_10 : vector<1x400x16xf32> to vector<400x16xf32>
    %add3A = arith.addf %get3A_4, %get3A_11 : vector<400x16xf32>
    %slice3A = vector.extract_strided_slice %add3A {offsets = [0, 0], sizes = [400, 1], strides = [1, 1]} : vector<400x16xf32> to vector<400x1xf32>
    %add3A_12 = arith.constant 1.000000e+00 : f32
    %add3A_13 = vector.broadcast %add3A_12 : f32 to vector<400x1xf32>
    %add3A_14 = arith.addf %slice3A, %add3A_13 : vector<400x1xf32>
    %rsqrt3A = math.rsqrt %add3A_14 : vector<400x1xf32>
    %get3A_15 = arith.constant 0 : index
    %get3A_16 = arith.constant 0 : index
    %get3A_17 = vector.load %arg1[%get3A_15, %get3A_16] : memref<400x256xf32, #tpu.memory_space<vmem>>, vector<400x256xf32>
    %get3A_18 = arith.constant 0 : index
    %get3A_19 = arith.constant 0 : index
    %get3A_20 = vector.load %arg2[%get3A_18, %get3A_19] : memref<256x256xf32, #tpu.memory_space<vmem>>, vector<256x256xf32>
    %dot_general3A = arith.constant dense<0.000000e+00> : vector<400x256xf32>
    %dot_general3A_21 = tpu.matmul %get3A_17, %get3A_20, %dot_general3A {dimension_numbers = #tpu.dot_dimension_numbers<[1], [0], [0], [1], [0, 0, 1, 1], [], []>, transpose_lhs_hint = false} : vector<400x256xf32>, vector<256x256xf32>, vector<400x256xf32> -> vector<400x256xf32>
    %mul3A_22 = vector.broadcast %rsqrt3A : vector<400x1xf32> to vector<400x256xf32>
    %mul3A_23 = arith.mulf %dot_general3A_21, %mul3A_22 : vector<400x256xf32>
    %slice3A_24 = vector.extract_strided_slice %mul3A_23 {offsets = [0, 0], sizes = [400, 128], strides = [1, 1]} : vector<400x256xf32> to vector<400x128xf32>
    %slice3A_25 = vector.extract_strided_slice %mul3A_23 {offsets = [0, 128], sizes = [400, 128], strides = [1, 1]} : vector<400x256xf32> to vector<400x128xf32>
    %stack3A = vector.shape_cast %slice3A_24 : vector<400x128xf32> to vector<1x400x128xf32>
    %stack3A_26 = vector.shape_cast %slice3A_25 : vector<400x128xf32> to vector<1x400x128xf32>
    %stack3A_27 = tpu.concatenate %stack3A, %stack3A_26 in 0 : vector<1x400x128xf32>, vector<1x400x128xf32> -> vector<2x400x128xf32>
    %swap3A = arith.constant 0 : index
    %swap3A_28 = arith.constant 0 : index
    %swap3A_29 = arith.constant 0 : index
    %swap3A_30 = vector.load %arg4[%swap3A, %swap3A_28, %swap3A_29] : memref<2x400x128xf32, #tpu.memory_space<vmem>>, vector<2x400x128xf32>
    tpu.vector_store %arg4[%swap3A, %swap3A_28, %swap3A_29], %stack3A_27 {strides = array<i32>} : memref<2x400x128xf32, #tpu.memory_space<vmem>>, vector<2x400x128xf32>,
    return
  }
  func.func @transform_0(%arg0: i32) -> (i32, i32) {
    %c0_i32 = arith.constant 0 : i32
    %c0_i32_0 = arith.constant 0 : i32
    return %arg0, %c0_i32 : i32, i32
  }
  func.func @transform_1(%arg0: i32) -> (i32, i32) {
    %c0_i32 = arith.constant 0 : i32
    %c0_i32_0 = arith.constant 0 : i32
    %c0_i32_1 = arith.constant 0 : i32
    return %c0_i32, %c0_i32_0 : i32, i32
  }
  func.func @transform_2(%arg0: i32) -> (i32, i32, i32) {
    %c0_i32 = arith.constant 0 : i32
    %c0_i32_0 = arith.constant 0 : i32
    %c0_i32_1 = arith.constant 0 : i32
    %c0_i32_2 = arith.constant 0 : i32
    return %c0_i32, %c0_i32_0, %c0_i32_1 : i32, i32, i32
  }
  func.func @transform_3(%arg0: i32) -> (i32, i32, i32) {
    %c0_i32 = arith.constant 0 : i32
    %c0_i32_0 = arith.constant 0 : i32
    %c0_i32_1 = arith.constant 0 : i32
    return %c0_i32, %arg0, %c0_i32_0 : i32, i32, i32
  }
}

module attributes {stable_mosaic.version = 14 : i64} {
  func.func @_tc2a_body(%arg0: i32, %arg1: memref<2x400x128xf32, #tpu.memory_space<vmem>>, %arg2: memref<2x400x128xf32, #tpu.memory_space<vmem>>, %arg3: memref<2x10000x16xf32, #tpu.memory_space<vmem>>, %arg4: memref<1x256xf32, #tpu.memory_space<vmem>>, %arg5: memref<8x256xf32, #tpu.memory_space<vmem>>) attributes {dimension_semantics = [#tpu.dimension_semantics<arbitrary>], iteration_bounds = array<i64: 25>, scalar_prefetch = 0 : i64, scratch_operands = 0 : i64, tpu.core_type = #tpu.core_type<tc>, window_params = [{transform_indices = @transform_0, window_bounds = array<i64: 2, 400, 128>}, {transform_indices = @transform_1, window_bounds = array<i64: 2, 400, 128>}, {pipeline_mode = #tpu.pipeline_mode<synchronous>, transform_indices = @transform_2, window_bounds = array<i64: 2, 10000, 16>}, {pipeline_mode = #tpu.pipeline_mode<synchronous>, transform_indices = @transform_3, window_bounds = array<i64: 1, 256>}, {pipeline_mode = #tpu.pipeline_mode<synchronous>, transform_indices = @transform_4, window_bounds = array<i64: 8, 256>}]} {
    %mul3A = arith.constant 400 : i32
    %mul3A_0 = arith.muli %arg0, %mul3A : i32
    %get3A = arith.constant 0 : index
    %get3A_1 = arith.index_cast %mul3A_0 : i32 to index
    %get3A_2 = arith.constant 0 : index
    %get3A_3 = vector.load %arg3[%get3A, %get3A_1, %get3A_2] : memref<2x10000x16xf32, #tpu.memory_space<vmem>>, vector<1x400x16xf32>
    %get3A_4 = vector.shape_cast %get3A_3 : vector<1x400x16xf32> to vector<400x16xf32>
    %mul3A_5 = arith.constant 400 : i32
    %mul3A_6 = arith.muli %arg0, %mul3A_5 : i32
    %get3A_7 = arith.constant 1 : index
    %get3A_8 = arith.index_cast %mul3A_6 : i32 to index
    %get3A_9 = arith.constant 0 : index
    %get3A_10 = vector.load %arg3[%get3A_7, %get3A_8, %get3A_9] : memref<2x10000x16xf32, #tpu.memory_space<vmem>>, vector<1x400x16xf32>
    %get3A_11 = vector.shape_cast %get3A_10 : vector<1x400x16xf32> to vector<400x16xf32>
    %add3A = arith.addf %get3A_4, %get3A_11 : vector<400x16xf32>
    %slice3A = vector.extract_strided_slice %add3A {offsets = [0, 0], sizes = [400, 1], strides = [1, 1]} : vector<400x16xf32> to vector<400x1xf32>
    %add3A_12 = arith.constant 1.000000e+00 : f32
    %add3A_13 = vector.broadcast %add3A_12 : f32 to vector<400x1xf32>
    %add3A_14 = arith.addf %slice3A, %add3A_13 : vector<400x1xf32>
    %rsqrt3A = math.rsqrt %add3A_14 : vector<400x1xf32>
    %get3A_15 = arith.constant 0 : index
    %get3A_16 = arith.constant 0 : index
    %get3A_17 = arith.constant 0 : index
    %get3A_18 = vector.load %arg1[%get3A_15, %get3A_16, %get3A_17] : memref<2x400x128xf32, #tpu.memory_space<vmem>>, vector<1x400x128xf32>
    %get3A_19 = vector.shape_cast %get3A_18 : vector<1x400x128xf32> to vector<400x128xf32>
    %get3A_20 = arith.constant 0 : index
    %get3A_21 = arith.constant 0 : index
    %get3A_22 = arith.constant 0 : index
    %get3A_23 = vector.load %arg2[%get3A_20, %get3A_21, %get3A_22] : memref<2x400x128xf32, #tpu.memory_space<vmem>>, vector<1x400x128xf32>
    %get3A_24 = vector.shape_cast %get3A_23 : vector<1x400x128xf32> to vector<400x128xf32>
    %add3A_25 = arith.addf %get3A_19, %get3A_24 : vector<400x128xf32>
    %get3A_26 = arith.constant 1 : index
    %get3A_27 = arith.constant 0 : index
    %get3A_28 = arith.constant 0 : index
    %get3A_29 = vector.load %arg1[%get3A_26, %get3A_27, %get3A_28] : memref<2x400x128xf32, #tpu.memory_space<vmem>>, vector<1x400x128xf32>
    %get3A_30 = vector.shape_cast %get3A_29 : vector<1x400x128xf32> to vector<400x128xf32>
    %get3A_31 = arith.constant 1 : index
    %get3A_32 = arith.constant 0 : index
    %get3A_33 = arith.constant 0 : index
    %get3A_34 = vector.load %arg2[%get3A_31, %get3A_32, %get3A_33] : memref<2x400x128xf32, #tpu.memory_space<vmem>>, vector<1x400x128xf32>
    %get3A_35 = vector.shape_cast %get3A_34 : vector<1x400x128xf32> to vector<400x128xf32>
    %add3A_36 = arith.addf %get3A_30, %get3A_35 : vector<400x128xf32>
    %concatenate3A = tpu.concatenate %add3A_25, %add3A_36 in 1 : vector<400x128xf32>, vector<400x128xf32> -> vector<400x256xf32>
    %mul3A_37 = vector.broadcast %rsqrt3A : vector<400x1xf32> to vector<400x256xf32>
    %mul3A_38 = arith.mulf %concatenate3A, %mul3A_37 : vector<400x256xf32>
    %get3A_39 = arith.constant 0 : index
    %get3A_40 = arith.constant 0 : index
    %get3A_41 = vector.load %arg4[%get3A_39, %get3A_40] : memref<1x256xf32, #tpu.memory_space<vmem>>, vector<1x256xf32>
    %add3A_42 = vector.broadcast %get3A_41 : vector<1x256xf32> to vector<400x256xf32>
    %add3A_43 = arith.addf %mul3A_38, %add3A_42 : vector<400x256xf32>
    %reduce_sum3A = arith.constant dense<0.000000e+00> : vector<256xf32>
    %reduce_sum3A_44 = vector.multi_reduction <add>, %add3A_43, %reduce_sum3A [0] : vector<400x256xf32> to vector<256xf32>
    %broadcast_in_dim3A = vector.shape_cast %reduce_sum3A_44 : vector<256xf32> to vector<1x256xf32>
    %mul3A_45 = arith.mulf %add3A_43, %add3A_43 : vector<400x256xf32>
    %reduce_sum3A_46 = arith.constant dense<0.000000e+00> : vector<256xf32>
    %reduce_sum3A_47 = vector.multi_reduction <add>, %mul3A_45, %reduce_sum3A_46 [0] : vector<400x256xf32> to vector<256xf32>
    %broadcast_in_dim3A_48 = vector.shape_cast %reduce_sum3A_47 : vector<256xf32> to vector<1x256xf32>
    %broadcast_in_dim3A_49 = arith.constant 0.000000e+00 : f32
    %broadcast_in_dim3A_50 = vector.broadcast %broadcast_in_dim3A_49 : f32 to vector<6x256xf32>
    %concatenate3A_51 = tpu.concatenate %broadcast_in_dim3A, %broadcast_in_dim3A_48, %broadcast_in_dim3A_50 in 0 : vector<1x256xf32>, vector<1x256xf32>, vector<6x256xf32> -> vector<8x256xf32>
    %eq3A = arith.constant 0 : i32
    %eq3A_52 = arith.cmpi eq, %arg0, %eq3A : i32
    %convert_element_type3A = arith.extui %eq3A_52 : i1 to i32
    %cond3A = arith.constant 0 : i32
    %cond3A_53 = arith.cmpi ne, %convert_element_type3A, %cond3A : i32
    scf.if %cond3A_53 {
      %broadcast_in_dim3A_60 = arith.constant 0.000000e+00 : f32
      %broadcast_in_dim3A_61 = vector.broadcast %broadcast_in_dim3A_60 : f32 to vector<8x256xf32>
      %swap3A_62 = arith.constant 0 : index
      %swap3A_63 = arith.constant 0 : index
      %swap3A_64 = vector.load %arg5[%swap3A_62, %swap3A_63] : memref<8x256xf32, #tpu.memory_space<vmem>>, vector<8x256xf32>
      tpu.vector_store %arg5[%swap3A_62, %swap3A_63], %broadcast_in_dim3A_61 {strides = array<i32>} : memref<8x256xf32, #tpu.memory_space<vmem>>, vector<8x256xf32>,
    } else {
    }
    %get3A_54 = arith.constant 0 : index
    %get3A_55 = arith.constant 0 : index
    %get3A_56 = vector.load %arg5[%get3A_54, %get3A_55] : memref<8x256xf32, #tpu.memory_space<vmem>>, vector<8x256xf32>
    %add3A_57 = arith.addf %get3A_56, %concatenate3A_51 : vector<8x256xf32>
    %swap3A = arith.constant 0 : index
    %swap3A_58 = arith.constant 0 : index
    %swap3A_59 = vector.load %arg5[%swap3A, %swap3A_58] : memref<8x256xf32, #tpu.memory_space<vmem>>, vector<8x256xf32>
    tpu.vector_store %arg5[%swap3A, %swap3A_58], %add3A_57 {strides = array<i32>} : memref<8x256xf32, #tpu.memory_space<vmem>>, vector<8x256xf32>,
    return
  }
  func.func @transform_0(%arg0: i32) -> (i32, i32, i32) {
    %c0_i32 = arith.constant 0 : i32
    %c0_i32_0 = arith.constant 0 : i32
    %c0_i32_1 = arith.constant 0 : i32
    return %c0_i32, %arg0, %c0_i32_0 : i32, i32, i32
  }
  func.func @transform_1(%arg0: i32) -> (i32, i32, i32) {
    %c0_i32 = arith.constant 0 : i32
    %c0_i32_0 = arith.constant 0 : i32
    %c0_i32_1 = arith.constant 0 : i32
    return %c0_i32, %arg0, %c0_i32_0 : i32, i32, i32
  }
  func.func @transform_2(%arg0: i32) -> (i32, i32, i32) {
    %c0_i32 = arith.constant 0 : i32
    %c0_i32_0 = arith.constant 0 : i32
    %c0_i32_1 = arith.constant 0 : i32
    %c0_i32_2 = arith.constant 0 : i32
    return %c0_i32, %c0_i32_0, %c0_i32_1 : i32, i32, i32
  }
  func.func @transform_3(%arg0: i32) -> (i32, i32) {
    %c0_i32 = arith.constant 0 : i32
    %c0_i32_0 = arith.constant 0 : i32
    %c0_i32_1 = arith.constant 0 : i32
    return %c0_i32, %c0_i32_0 : i32, i32
  }
  func.func @transform_4(%arg0: i32) -> (i32, i32) {
    %c0_i32 = arith.constant 0 : i32
    %c0_i32_0 = arith.constant 0 : i32
    %c0_i32_1 = arith.constant 0 : i32
    return %c0_i32, %c0_i32_0 : i32, i32
  }
}

module attributes {stable_mosaic.version = 14 : i64} {
  func.func @_tc2b_body(%arg0: i32, %arg1: memref<2x400x128xf32, #tpu.memory_space<vmem>>, %arg2: memref<2x400x128xf32, #tpu.memory_space<vmem>>, %arg3: memref<2x10000x16xf32, #tpu.memory_space<vmem>>, %arg4: memref<1x256xf32, #tpu.memory_space<vmem>>, %arg5: memref<8x256xf32, #tpu.memory_space<vmem>>, %arg6: memref<1x256xf32, #tpu.memory_space<vmem>>, %arg7: memref<1x256xf32, #tpu.memory_space<vmem>>, %arg8: memref<2x400x128xf32, #tpu.memory_space<vmem>>) attributes {dimension_semantics = [#tpu.dimension_semantics<arbitrary>], iteration_bounds = array<i64: 25>, scalar_prefetch = 0 : i64, scratch_operands = 0 : i64, tpu.core_type = #tpu.core_type<tc>, window_params = [{transform_indices = @transform_0, window_bounds = array<i64: 2, 400, 128>}, {transform_indices = @transform_1, window_bounds = array<i64: 2, 400, 128>}, {pipeline_mode = #tpu.pipeline_mode<synchronous>, transform_indices = @transform_2, window_bounds = array<i64: 2, 10000, 16>}, {pipeline_mode = #tpu.pipeline_mode<synchronous>, transform_indices = @transform_3, window_bounds = array<i64: 1, 256>}, {pipeline_mode = #tpu.pipeline_mode<synchronous>, transform_indices = @transform_4, window_bounds = array<i64: 8, 256>}, {pipeline_mode = #tpu.pipeline_mode<synchronous>, transform_indices = @transform_5, window_bounds = array<i64: 1, 256>}, {pipeline_mode = #tpu.pipeline_mode<synchronous>, transform_indices = @transform_6, window_bounds = array<i64: 1, 256>}, {transform_indices = @transform_7, window_bounds = array<i64: 2, 400, 128>}]} {
    %mul3A = arith.constant 400 : i32
    %mul3A_0 = arith.muli %arg0, %mul3A : i32
    %get3A = arith.constant 0 : index
    %get3A_1 = arith.index_cast %mul3A_0 : i32 to index
    %get3A_2 = arith.constant 0 : index
    %get3A_3 = vector.load %arg3[%get3A, %get3A_1, %get3A_2] : memref<2x10000x16xf32, #tpu.memory_space<vmem>>, vector<1x400x16xf32>
    %get3A_4 = vector.shape_cast %get3A_3 : vector<1x400x16xf32> to vector<400x16xf32>
    %mul3A_5 = arith.constant 400 : i32
    %mul3A_6 = arith.muli %arg0, %mul3A_5 : i32
    %get3A_7 = arith.constant 1 : index
    %get3A_8 = arith.index_cast %mul3A_6 : i32 to index
    %get3A_9 = arith.constant 0 : index
    %get3A_10 = vector.load %arg3[%get3A_7, %get3A_8, %get3A_9] : memref<2x10000x16xf32, #tpu.memory_space<vmem>>, vector<1x400x16xf32>
    %get3A_11 = vector.shape_cast %get3A_10 : vector<1x400x16xf32> to vector<400x16xf32>
    %add3A = arith.addf %get3A_4, %get3A_11 : vector<400x16xf32>
    %slice3A = vector.extract_strided_slice %add3A {offsets = [0, 0], sizes = [400, 1], strides = [1, 1]} : vector<400x16xf32> to vector<400x1xf32>
    %add3A_12 = arith.constant 1.000000e+00 : f32
    %add3A_13 = vector.broadcast %add3A_12 : f32 to vector<400x1xf32>
    %add3A_14 = arith.addf %slice3A, %add3A_13 : vector<400x1xf32>
    %rsqrt3A = math.rsqrt %add3A_14 : vector<400x1xf32>
    %get3A_15 = arith.constant 0 : index
    %get3A_16 = arith.constant 0 : index
    %get3A_17 = arith.constant 0 : index
    %get3A_18 = vector.load %arg1[%get3A_15, %get3A_16, %get3A_17] : memref<2x400x128xf32, #tpu.memory_space<vmem>>, vector<1x400x128xf32>
    %get3A_19 = vector.shape_cast %get3A_18 : vector<1x400x128xf32> to vector<400x128xf32>
    %get3A_20 = arith.constant 0 : index
    %get3A_21 = arith.constant 0 : index
    %get3A_22 = arith.constant 0 : index
    %get3A_23 = vector.load %arg2[%get3A_20, %get3A_21, %get3A_22] : memref<2x400x128xf32, #tpu.memory_space<vmem>>, vector<1x400x128xf32>
    %get3A_24 = vector.shape_cast %get3A_23 : vector<1x400x128xf32> to vector<400x128xf32>
    %add3A_25 = arith.addf %get3A_19, %get3A_24 : vector<400x128xf32>
    %get3A_26 = arith.constant 1 : index
    %get3A_27 = arith.constant 0 : index
    %get3A_28 = arith.constant 0 : index
    %get3A_29 = vector.load %arg1[%get3A_26, %get3A_27, %get3A_28] : memref<2x400x128xf32, #tpu.memory_space<vmem>>, vector<1x400x128xf32>
    %get3A_30 = vector.shape_cast %get3A_29 : vector<1x400x128xf32> to vector<400x128xf32>
    %get3A_31 = arith.constant 1 : index
    %get3A_32 = arith.constant 0 : index
    %get3A_33 = arith.constant 0 : index
    %get3A_34 = vector.load %arg2[%get3A_31, %get3A_32, %get3A_33] : memref<2x400x128xf32, #tpu.memory_space<vmem>>, vector<1x400x128xf32>
    %get3A_35 = vector.shape_cast %get3A_34 : vector<1x400x128xf32> to vector<400x128xf32>
    %add3A_36 = arith.addf %get3A_30, %get3A_35 : vector<400x128xf32>
    %concatenate3A = tpu.concatenate %add3A_25, %add3A_36 in 1 : vector<400x128xf32>, vector<400x128xf32> -> vector<400x256xf32>
    %mul3A_37 = vector.broadcast %rsqrt3A : vector<400x1xf32> to vector<400x256xf32>
    %mul3A_38 = arith.mulf %concatenate3A, %mul3A_37 : vector<400x256xf32>
    %get3A_39 = arith.constant 0 : index
    %get3A_40 = arith.constant 0 : index
    %get3A_41 = vector.load %arg4[%get3A_39, %get3A_40] : memref<1x256xf32, #tpu.memory_space<vmem>>, vector<1x256xf32>
    %add3A_42 = vector.broadcast %get3A_41 : vector<1x256xf32> to vector<400x256xf32>
    %add3A_43 = arith.addf %mul3A_38, %add3A_42 : vector<400x256xf32>
    %get3A_44 = arith.constant 0 : index
    %get3A_45 = arith.constant 0 : index
    %get3A_46 = vector.load %arg5[%get3A_44, %get3A_45] : memref<8x256xf32, #tpu.memory_space<vmem>>, vector<1x256xf32>
    %mul3A_47 = arith.constant 9.99999974E-5 : f32
    %mul3A_48 = vector.broadcast %mul3A_47 : f32 to vector<1x256xf32>
    %mul3A_49 = arith.mulf %get3A_46, %mul3A_48 : vector<1x256xf32>
    %get3A_50 = arith.constant 1 : index
    %get3A_51 = arith.constant 0 : index
    %get3A_52 = vector.load %arg5[%get3A_50, %get3A_51] : memref<8x256xf32, #tpu.memory_space<vmem>>, vector<1x256xf32>
    %mul3A_53 = arith.constant 9.99999974E-5 : f32
    %mul3A_54 = vector.broadcast %mul3A_53 : f32 to vector<1x256xf32>
    %mul3A_55 = arith.mulf %get3A_52, %mul3A_54 : vector<1x256xf32>
    %mul3A_56 = arith.mulf %mul3A_49, %mul3A_49 : vector<1x256xf32>
    %sub3A = arith.subf %mul3A_55, %mul3A_56 : vector<1x256xf32>
    %get3A_57 = arith.constant 0 : index
    %get3A_58 = arith.constant 0 : index
    %get3A_59 = vector.load %arg6[%get3A_57, %get3A_58] : memref<1x256xf32, #tpu.memory_space<vmem>>, vector<1x256xf32>
    %sub3A_60 = vector.broadcast %mul3A_49 : vector<1x256xf32> to vector<400x256xf32>
    %sub3A_61 = arith.subf %add3A_43, %sub3A_60 : vector<400x256xf32>
    %add3A_62 = arith.constant 9.99999974E-6 : f32
    %add3A_63 = vector.broadcast %add3A_62 : f32 to vector<1x256xf32>
    %add3A_64 = arith.addf %sub3A, %add3A_63 : vector<1x256xf32>
    %rsqrt3A_65 = math.rsqrt %add3A_64 : vector<1x256xf32>
    %mul3A_66 = vector.broadcast %rsqrt3A_65 : vector<1x256xf32> to vector<400x256xf32>
    %mul3A_67 = arith.mulf %sub3A_61, %mul3A_66 : vector<400x256xf32>
    %mul3A_68 = vector.broadcast %get3A_59 : vector<1x256xf32> to vector<400x256xf32>
    %mul3A_69 = arith.mulf %mul3A_68, %mul3A_67 : vector<400x256xf32>
    %get3A_70 = arith.constant 0 : index
    %get3A_71 = arith.constant 0 : index
    %get3A_72 = vector.load %arg7[%get3A_70, %get3A_71] : memref<1x256xf32, #tpu.memory_space<vmem>>, vector<1x256xf32>
    %add3A_73 = vector.broadcast %get3A_72 : vector<1x256xf32> to vector<400x256xf32>
    %add3A_74 = arith.addf %mul3A_69, %add3A_73 : vector<400x256xf32>
    %max3A = arith.constant 0.000000e+00 : f32
    %max3A_75 = vector.broadcast %max3A : f32 to vector<400x256xf32>
    %max3A_76 = arith.maximumf %add3A_74, %max3A_75 : vector<400x256xf32>
    %mul3A_77 = vector.broadcast %rsqrt3A : vector<400x1xf32> to vector<400x256xf32>
    %mul3A_78 = arith.mulf %max3A_76, %mul3A_77 : vector<400x256xf32>
    %slice3A_79 = vector.extract_strided_slice %mul3A_78 {offsets = [0, 0], sizes = [400, 128], strides = [1, 1]} : vector<400x256xf32> to vector<400x128xf32>
    %slice3A_80 = vector.extract_strided_slice %mul3A_78 {offsets = [0, 128], sizes = [400, 128], strides = [1, 1]} : vector<400x256xf32> to vector<400x128xf32>
    %stack3A = vector.shape_cast %slice3A_79 : vector<400x128xf32> to vector<1x400x128xf32>
    %stack3A_81 = vector.shape_cast %slice3A_80 : vector<400x128xf32> to vector<1x400x128xf32>
    %stack3A_82 = tpu.concatenate %stack3A, %stack3A_81 in 0 : vector<1x400x128xf32>, vector<1x400x128xf32> -> vector<2x400x128xf32>
    %swap3A = arith.constant 0 : index
    %swap3A_83 = arith.constant 0 : index
    %swap3A_84 = arith.constant 0 : index
    %swap3A_85 = vector.load %arg8[%swap3A, %swap3A_83, %swap3A_84] : memref<2x400x128xf32, #tpu.memory_space<vmem>>, vector<2x400x128xf32>
    tpu.vector_store %arg8[%swap3A, %swap3A_83, %swap3A_84], %stack3A_82 {strides = array<i32>} : memref<2x400x128xf32, #tpu.memory_space<vmem>>, vector<2x400x128xf32>,
    return
  }
  func.func @transform_0(%arg0: i32) -> (i32, i32, i32) {
    %c0_i32 = arith.constant 0 : i32
    %c0_i32_0 = arith.constant 0 : i32
    %c0_i32_1 = arith.constant 0 : i32
    return %c0_i32, %arg0, %c0_i32_0 : i32, i32, i32
  }
  func.func @transform_1(%arg0: i32) -> (i32, i32, i32) {
    %c0_i32 = arith.constant 0 : i32
    %c0_i32_0 = arith.constant 0 : i32
    %c0_i32_1 = arith.constant 0 : i32
    return %c0_i32, %arg0, %c0_i32_0 : i32, i32, i32
  }
  func.func @transform_2(%arg0: i32) -> (i32, i32, i32) {
    %c0_i32 = arith.constant 0 : i32
    %c0_i32_0 = arith.constant 0 : i32
    %c0_i32_1 = arith.constant 0 : i32
    %c0_i32_2 = arith.constant 0 : i32
    return %c0_i32, %c0_i32_0, %c0_i32_1 : i32, i32, i32
  }
  func.func @transform_3(%arg0: i32) -> (i32, i32) {
    %c0_i32 = arith.constant 0 : i32
    %c0_i32_0 = arith.constant 0 : i32
    %c0_i32_1 = arith.constant 0 : i32
    return %c0_i32, %c0_i32_0 : i32, i32
  }
  func.func @transform_4(%arg0: i32) -> (i32, i32) {
    %c0_i32 = arith.constant 0 : i32
    %c0_i32_0 = arith.constant 0 : i32
    %c0_i32_1 = arith.constant 0 : i32
    return %c0_i32, %c0_i32_0 : i32, i32
  }
  func.func @transform_5(%arg0: i32) -> (i32, i32) {
    %c0_i32 = arith.constant 0 : i32
    %c0_i32_0 = arith.constant 0 : i32
    %c0_i32_1 = arith.constant 0 : i32
    return %c0_i32, %c0_i32_0 : i32, i32
  }
  func.func @transform_6(%arg0: i32) -> (i32, i32) {
    %c0_i32 = arith.constant 0 : i32
    %c0_i32_0 = arith.constant 0 : i32
    %c0_i32_1 = arith.constant 0 : i32
    return %c0_i32, %c0_i32_0 : i32, i32
  }
  func.func @transform_7(%arg0: i32) -> (i32, i32, i32) {
    %c0_i32 = arith.constant 0 : i32
    %c0_i32_0 = arith.constant 0 : i32
    %c0_i32_1 = arith.constant 0 : i32
    return %c0_i32, %arg0, %c0_i32_0 : i32, i32, i32
  }
}

module attributes {stable_mosaic.version = 14 : i64} {
  func.func @_tc3_body(%arg0: i32, %arg1: memref<2x400x128xf32, #tpu.memory_space<vmem>>, %arg2: memref<2x400x128xf32, #tpu.memory_space<vmem>>, %arg3: memref<2x10000x16xf32, #tpu.memory_space<vmem>>, %arg4: memref<256x128xf32, #tpu.memory_space<vmem>>, %arg5: memref<1x128xf32, #tpu.memory_space<vmem>>, %arg6: memref<256x128xf32, #tpu.memory_space<vmem>>, %arg7: memref<1x128xf32, #tpu.memory_space<vmem>>, %arg8: memref<400x128xf32, #tpu.memory_space<vmem>>, %arg9: memref<400x128xf32, #tpu.memory_space<vmem>>) attributes {dimension_semantics = [#tpu.dimension_semantics<arbitrary>], iteration_bounds = array<i64: 25>, scalar_prefetch = 0 : i64, scratch_operands = 0 : i64, tpu.core_type = #tpu.core_type<tc>, window_params = [{transform_indices = @transform_0, window_bounds = array<i64: 2, 400, 128>}, {transform_indices = @transform_1, window_bounds = array<i64: 2, 400, 128>}, {pipeline_mode = #tpu.pipeline_mode<synchronous>, transform_indices = @transform_2, window_bounds = array<i64: 2, 10000, 16>}, {pipeline_mode = #tpu.pipeline_mode<synchronous>, transform_indices = @transform_3, window_bounds = array<i64: 256, 128>}, {pipeline_mode = #tpu.pipeline_mode<synchronous>, transform_indices = @transform_4, window_bounds = array<i64: 1, 128>}, {pipeline_mode = #tpu.pipeline_mode<synchronous>, transform_indices = @transform_5, window_bounds = array<i64: 256, 128>}, {pipeline_mode = #tpu.pipeline_mode<synchronous>, transform_indices = @transform_6, window_bounds = array<i64: 1, 128>}, {transform_indices = @transform_7, window_bounds = array<i64: 400, 128>}, {transform_indices = @transform_8, window_bounds = array<i64: 400, 128>}]} {
    %mul3A = arith.constant 400 : i32
    %mul3A_0 = arith.muli %arg0, %mul3A : i32
    %get3A = arith.constant 0 : index
    %get3A_1 = arith.index_cast %mul3A_0 : i32 to index
    %get3A_2 = arith.constant 0 : index
    %get3A_3 = vector.load %arg3[%get3A, %get3A_1, %get3A_2] : memref<2x10000x16xf32, #tpu.memory_space<vmem>>, vector<1x400x16xf32>
    %get3A_4 = vector.shape_cast %get3A_3 : vector<1x400x16xf32> to vector<400x16xf32>
    %mul3A_5 = arith.constant 400 : i32
    %mul3A_6 = arith.muli %arg0, %mul3A_5 : i32
    %get3A_7 = arith.constant 1 : index
    %get3A_8 = arith.index_cast %mul3A_6 : i32 to index
    %get3A_9 = arith.constant 0 : index
    %get3A_10 = vector.load %arg3[%get3A_7, %get3A_8, %get3A_9] : memref<2x10000x16xf32, #tpu.memory_space<vmem>>, vector<1x400x16xf32>
    %get3A_11 = vector.shape_cast %get3A_10 : vector<1x400x16xf32> to vector<400x16xf32>
    %add3A = arith.addf %get3A_4, %get3A_11 : vector<400x16xf32>
    %slice3A = vector.extract_strided_slice %add3A {offsets = [0, 0], sizes = [400, 1], strides = [1, 1]} : vector<400x16xf32> to vector<400x1xf32>
    %add3A_12 = arith.constant 1.000000e+00 : f32
    %add3A_13 = vector.broadcast %add3A_12 : f32 to vector<400x1xf32>
    %add3A_14 = arith.addf %slice3A, %add3A_13 : vector<400x1xf32>
    %rsqrt3A = math.rsqrt %add3A_14 : vector<400x1xf32>
    %get3A_15 = arith.constant 0 : index
    %get3A_16 = arith.constant 0 : index
    %get3A_17 = arith.constant 0 : index
    %get3A_18 = vector.load %arg1[%get3A_15, %get3A_16, %get3A_17] : memref<2x400x128xf32, #tpu.memory_space<vmem>>, vector<1x400x128xf32>
    %get3A_19 = vector.shape_cast %get3A_18 : vector<1x400x128xf32> to vector<400x128xf32>
    %get3A_20 = arith.constant 0 : index
    %get3A_21 = arith.constant 0 : index
    %get3A_22 = arith.constant 0 : index
    %get3A_23 = vector.load %arg2[%get3A_20, %get3A_21, %get3A_22] : memref<2x400x128xf32, #tpu.memory_space<vmem>>, vector<1x400x128xf32>
    %get3A_24 = vector.shape_cast %get3A_23 : vector<1x400x128xf32> to vector<400x128xf32>
    %add3A_25 = arith.addf %get3A_19, %get3A_24 : vector<400x128xf32>
    %get3A_26 = arith.constant 1 : index
    %get3A_27 = arith.constant 0 : index
    %get3A_28 = arith.constant 0 : index
    %get3A_29 = vector.load %arg1[%get3A_26, %get3A_27, %get3A_28] : memref<2x400x128xf32, #tpu.memory_space<vmem>>, vector<1x400x128xf32>
    %get3A_30 = vector.shape_cast %get3A_29 : vector<1x400x128xf32> to vector<400x128xf32>
    %get3A_31 = arith.constant 1 : index
    %get3A_32 = arith.constant 0 : index
    %get3A_33 = arith.constant 0 : index
    %get3A_34 = vector.load %arg2[%get3A_31, %get3A_32, %get3A_33] : memref<2x400x128xf32, #tpu.memory_space<vmem>>, vector<1x400x128xf32>
    %get3A_35 = vector.shape_cast %get3A_34 : vector<1x400x128xf32> to vector<400x128xf32>
    %add3A_36 = arith.addf %get3A_30, %get3A_35 : vector<400x128xf32>
    %concatenate3A = tpu.concatenate %add3A_25, %add3A_36 in 1 : vector<400x128xf32>, vector<400x128xf32> -> vector<400x256xf32>
    %mul3A_37 = vector.broadcast %rsqrt3A : vector<400x1xf32> to vector<400x256xf32>
    %mul3A_38 = arith.mulf %concatenate3A, %mul3A_37 : vector<400x256xf32>
    %get3A_39 = arith.constant 0 : index
    %get3A_40 = arith.constant 0 : index
    %get3A_41 = vector.load %arg4[%get3A_39, %get3A_40] : memref<256x128xf32, #tpu.memory_space<vmem>>, vector<256x128xf32>
    %dot_general3A = arith.constant dense<0.000000e+00> : vector<400x128xf32>
    %dot_general3A_42 = tpu.matmul %mul3A_38, %get3A_41, %dot_general3A {dimension_numbers = #tpu.dot_dimension_numbers<[1], [0], [0], [1], [0, 0, 1, 1], [], []>, transpose_lhs_hint = false} : vector<400x256xf32>, vector<256x128xf32>, vector<400x128xf32> -> vector<400x128xf32>
    %get3A_43 = arith.constant 0 : index
    %get3A_44 = arith.constant 0 : index
    %get3A_45 = vector.load %arg5[%get3A_43, %get3A_44] : memref<1x128xf32, #tpu.memory_space<vmem>>, vector<1x128xf32>
    %add3A_46 = vector.broadcast %get3A_45 : vector<1x128xf32> to vector<400x128xf32>
    %add3A_47 = arith.addf %dot_general3A_42, %add3A_46 : vector<400x128xf32>
    %swap3A = arith.constant 0 : index
    %swap3A_48 = arith.constant 0 : index
    %swap3A_49 = vector.load %arg8[%swap3A, %swap3A_48] : memref<400x128xf32, #tpu.memory_space<vmem>>, vector<400x128xf32>
    tpu.vector_store %arg8[%swap3A, %swap3A_48], %add3A_47 {strides = array<i32>} : memref<400x128xf32, #tpu.memory_space<vmem>>, vector<400x128xf32>,
    %get3A_50 = arith.constant 0 : index
    %get3A_51 = arith.constant 0 : index
    %get3A_52 = vector.load %arg6[%get3A_50, %get3A_51] : memref<256x128xf32, #tpu.memory_space<vmem>>, vector<256x128xf32>
    %dot_general3A_53 = arith.constant dense<0.000000e+00> : vector<400x128xf32>
    %dot_general3A_54 = tpu.matmul %mul3A_38, %get3A_52, %dot_general3A_53 {dimension_numbers = #tpu.dot_dimension_numbers<[1], [0], [0], [1], [0, 0, 1, 1], [], []>, transpose_lhs_hint = false} : vector<400x256xf32>, vector<256x128xf32>, vector<400x128xf32> -> vector<400x128xf32>
    %get3A_55 = arith.constant 0 : index
    %get3A_56 = arith.constant 0 : index
    %get3A_57 = vector.load %arg7[%get3A_55, %get3A_56] : memref<1x128xf32, #tpu.memory_space<vmem>>, vector<1x128xf32>
    %add3A_58 = vector.broadcast %get3A_57 : vector<1x128xf32> to vector<400x128xf32>
    %add3A_59 = arith.addf %dot_general3A_54, %add3A_58 : vector<400x128xf32>
    %swap3A_60 = arith.constant 0 : index
    %swap3A_61 = arith.constant 0 : index
    %swap3A_62 = vector.load %arg9[%swap3A_60, %swap3A_61] : memref<400x128xf32, #tpu.memory_space<vmem>>, vector<400x128xf32>
    tpu.vector_store %arg9[%swap3A_60, %swap3A_61], %add3A_59 {strides = array<i32>} : memref<400x128xf32, #tpu.memory_space<vmem>>, vector<400x128xf32>,
    return
  }
  func.func @transform_0(%arg0: i32) -> (i32, i32, i32) {
    %c0_i32 = arith.constant 0 : i32
    %c0_i32_0 = arith.constant 0 : i32
    %c0_i32_1 = arith.constant 0 : i32
    return %c0_i32, %arg0, %c0_i32_0 : i32, i32, i32
  }
  func.func @transform_1(%arg0: i32) -> (i32, i32, i32) {
    %c0_i32 = arith.constant 0 : i32
    %c0_i32_0 = arith.constant 0 : i32
    %c0_i32_1 = arith.constant 0 : i32
    return %c0_i32, %arg0, %c0_i32_0 : i32, i32, i32
  }
  func.func @transform_2(%arg0: i32) -> (i32, i32, i32) {
    %c0_i32 = arith.constant 0 : i32
    %c0_i32_0 = arith.constant 0 : i32
    %c0_i32_1 = arith.constant 0 : i32
    %c0_i32_2 = arith.constant 0 : i32
    return %c0_i32, %c0_i32_0, %c0_i32_1 : i32, i32, i32
  }
  func.func @transform_3(%arg0: i32) -> (i32, i32) {
    %c0_i32 = arith.constant 0 : i32
    %c0_i32_0 = arith.constant 0 : i32
    %c0_i32_1 = arith.constant 0 : i32
    return %c0_i32, %c0_i32_0 : i32, i32
  }
  func.func @transform_4(%arg0: i32) -> (i32, i32) {
    %c0_i32 = arith.constant 0 : i32
    %c0_i32_0 = arith.constant 0 : i32
    %c0_i32_1 = arith.constant 0 : i32
    return %c0_i32, %c0_i32_0 : i32, i32
  }
  func.func @transform_5(%arg0: i32) -> (i32, i32) {
    %c0_i32 = arith.constant 0 : i32
    %c0_i32_0 = arith.constant 0 : i32
    %c0_i32_1 = arith.constant 0 : i32
    return %c0_i32, %c0_i32_0 : i32, i32
  }
  func.func @transform_6(%arg0: i32) -> (i32, i32) {
    %c0_i32 = arith.constant 0 : i32
    %c0_i32_0 = arith.constant 0 : i32
    %c0_i32_1 = arith.constant 0 : i32
    return %c0_i32, %c0_i32_0 : i32, i32
  }
  func.func @transform_7(%arg0: i32) -> (i32, i32) {
    %c0_i32 = arith.constant 0 : i32
    %c0_i32_0 = arith.constant 0 : i32
    return %arg0, %c0_i32 : i32, i32
  }
  func.func @transform_8(%arg0: i32) -> (i32, i32) {
    %c0_i32 = arith.constant 0 : i32
    %c0_i32_0 = arith.constant 0 : i32
    return %arg0, %c0_i32 : i32, i32
  }
}

</mosaic_0001>

<sc_bundles>
// kernel: kernel.12.cloned.1.call-start
scs
__scs_entry_jumppad:
0x0: {  	(pc) =	sbr.rel $0x88, $3  }
0x1: {  	(tag) =	ssettag $0x0;
	lr =	simm.s32 $0x1  }
0x2: {  	[smem:$0x3F97] =	sst lr;
	_ =	strace $0xD0000000  }
0x3: {  	_ = 	snop  }
0x4: {  	_ = 	snop  }
0x5: {  	_ = 	snop  }
0x6: {  	_ = 	snop  }
0x7: {  	_ = 	snop  }
__scs_overlays_trampoline_lowered:
0x8: {  	[smem:$0x3FA6] =	sst s0  }
0x9: {  	[smem:$0x3FA7] =	sst s1  }
0xa: {  	[smem:$0x3FA8] =	sst s2  }
0xb: {  	[smem:$0x3FA9] =	sst s3  }
0xc: {  	[smem:$0x3FAA] =	sst s4  }
0xd: {  	[smem:$0x3FAB] =	sst s5  }
0xe: {  	[smem:$0x3FAC] =	sst s6  }
0xf: {  	[smem:$0x3FAD] =	sst s7  }
0x10: {  	[smem:$0x3FAE] =	sst s8  }
0x11: {  	[smem:$0x3FAF] =	sst s9;
	s0 =	simm.s32 @!p0 $0x0  }
0x12: {  	s1 =	sld [smem:$0x3F95];
	s0 =	simm.s32 @p0 $0x1  }
0x13: {  	[smem:$0x3FB0] =	sst s0;
	s0 =	simm.s32 @!p1 $0x0  }
0x14: {  	s2 =	sld [smem:$0x3F94];
	s0 =	simm.s32 @p1 $0x1  }
0x15: {  	[smem:$0x3FB1] =	sst s0;
	s0 =	simm.s32 @!p2 $0x0  }
0x16: {  	s3 =	sld [smem:$0x3FDB];
	s0 =	simm.s32 @p2 $0x1  }
0x17: {  	s4 =	simm.s32 $0x1BF5;
	[smem:$0x3FB3] =	sst s0  }
0x18: {  	s0 =	sld [smem:$0x3F96];
	_ =	swait.ge [sflag:s4], $0x0  }
0x19: {  	s7 =	sld [smem:$0x3F97]  }
0x1a: {  	s8 =	sadd.s32 $0xFFFFE003, lr  }
0x1b: {  	s9 =	sadd.s32 $0xFFFFFEF7, lr;
	s5 =	simm.s32 $0xFFFFFFFF;
	p2 =	slt.u32 s8, $0xFFFFF086  }
0x1c: {  	p1 =	slt.u32 s9, $0xF7A;
	s5 =	simm.s32 @!p2 $0x0  }
0x1d: {  	s5 =	simm.s32 @p1 $0x1;
	p0 =	seq.s32 s7, s2  }
0x1e: {  	s7 =	smul.u32 @!p0 $0xF7A, s2;
	p2 =	seq.s32 @!p0 s5, $0x0  }
0x1f: {  	s9 =	smul.u32 $0xF7A, s1;
	s8 =	simm.s32 @!p0 $0x1BF5;
	p2 =	por !p2, p0  }
0x20: {  	[sflag:s8] =	ssyncset.s32 @!p0 $0xFFFFF086;
	s6 =	sadd.s32 @!p0 s3, s7;
	s7 =	simm.s32 @!p0 $0x108  }
0x21: {  	s3 =	sadd.s32 s3, s9;
	s6 =	sadd.s32 @!p0 $0x88, s6;
	s7 =	simm.s32 @p2 $0x1082  }
0x22: {  	[simem:s7], [sflag:s8] =	dma.local @!p0 [hbm:s6], $0xF7A  }
0x23: {  	s9 =	sor.u32 $0xD0000000, s2;
	s6 =	simm.s32 $0x108;
	_ =	swait.ge @!p0 [sflag:s8], $0x0  }
0x24: {  	s3 =	sadd.s32 $0x88, s3;
	s6 =	simm.s32 @!p1 $0x1082;
	[sflag:s4] =	ssyncset.s32 $0xFFFFF086  }
0x25: {  	[simem:s6], [sflag:s4] =	dma.local [hbm:s3], $0xF7A  }
0x26: {  	[smem:$0x3F97] =	sst s1;
	(tag) =	ssettag s2;
	_ =	strace s9  }
0x27: {  	s1 =	sld [smem:$0x3FA7]  }
0x28: {  	s2 =	sld [smem:$0x3FA8]  }
0x29: {  	s4 =	sld [smem:$0x3FAA]  }
0x2a: {  	p0 =	seq.s32 s5, $0x0;
	s5 =	sld [smem:$0x3FAB]  }
0x2b: {  	s6 =	sld [smem:$0x3FAC]  }
0x2c: {  	s7 =	sld [smem:$0x3FAD]  }
0x2d: {  	s3 =	simm.s32 $0x108;
	s8 =	sld [smem:$0x3FAE]  }
0x2e: {  	s3 =	simm.s32 @!p0 $0x1082;
	s9 =	sld [smem:$0x3FAF]  }
0x2f: {  	lr =	sadd.s32 s0, s3;
	s0 =	sld [smem:$0x3FA6]  }
0x30: {  	s3 =	sld [smem:$0x3FA9]  }
0x31: {  	[smem:$0x3FB2] =	sst s10  }
0x32: {  	s10 =	sld [smem:$0x3FB0];
	_ =	sdelay $0x3  }
0x33: {  	p0 =	seq.s32 s10, $0x1;
	s10 =	sld [smem:$0x3FB2];
	_ =	sdelay $0x3  }
0x34: {  	[smem:$0x3FB2] =	sst s10  }
0x35: {  	s10 =	sld [smem:$0x3FB1];
	_ =	sdelay $0x3  }
0x36: {  	p1 =	seq.s32 s10, $0x1;
	s10 =	sld [smem:$0x3FB2];
	_ =	sdelay $0x3  }
0x37: {  	[smem:$0x3FB2] =	sst s10  }
0x38: {  	s10 =	sld [smem:$0x3FB3]  }
0x39: {  	_ = 	snop;
	(pc) =	sbr.ind lr, $3  }
0x3a: {  	_ = 	snop  }
0x3b: {  	_ = 	snop  }
0x3c: {  	p2 =	seq.s32 s10, $0x1;
	s10 =	sld [smem:$0x3FB2]  }
0x3d: {  	_ =	shalt  }
0x3e: {  	_ =	shalt  }
0x3f: {  	_ =	shalt  }
0x40: {  	_ =	shalt  }
0x41: {  	_ =	shalt  }
0x42: {  	_ =	shalt  }
0x43: {  	_ =	shalt  }
0x44: {  	_ =	shalt  }
0x45: {  	_ =	shalt  }
0x46: {  	_ =	shalt  }
0x47: {  	_ =	shalt  }
0x48: {  	_ =	shalt  }
0x49: {  	_ =	shalt  }
0x4a: {  	_ =	shalt  }
0x4b: {  	_ =	shalt  }
0x4c: {  	_ =	shalt  }
0x4d: {  	_ =	shalt  }
0x4e: {  	_ =	shalt  }
0x4f: {  	_ =	shalt  }
0x50: {  	_ =	shalt  }
0x51: {  	_ =	shalt  }
0x52: {  	_ =	shalt  }
0x53: {  	_ =	shalt  }
0x54: {  	_ =	shalt  }
0x55: {  	_ =	shalt  }
0x56: {  	_ =	shalt  }
0x57: {  	_ =	shalt  }
0x58: {  	_ =	shalt  }
0x59: {  	_ =	shalt  }
0x5a: {  	_ =	shalt  }
0x5b: {  	_ =	shalt  }
0x5c: {  	_ =	shalt  }
0x5d: {  	_ =	shalt  }
0x5e: {  	_ =	shalt  }
0x5f: {  	_ =	shalt  }
0x60: {  	_ =	shalt  }
0x61: {  	_ =	shalt  }
0x62: {  	_ =	shalt  }
0x63: {  	_ =	shalt  }
0x64: {  	_ =	shalt  }
0x65: {  	_ =	shalt  }
0x66: {  	_ =	shalt  }
0x67: {  	_ =	shalt  }
0x68: {  	_ =	shalt  }
0x69: {  	_ =	shalt  }
0x6a: {  	_ =	shalt  }
0x6b: {  	_ =	shalt  }
0x6c: {  	_ =	shalt  }
0x6d: {  	_ =	shalt  }
0x6e: {  	_ =	shalt  }
0x6f: {  	_ =	shalt  }
0x70: {  	_ =	shalt  }
0x71: {  	_ =	shalt  }
0x72: {  	_ =	shalt  }
0x73: {  	_ =	shalt  }
0x74: {  	_ =	shalt  }
0x75: {  	_ =	shalt  }
0x76: {  	_ =	shalt  }
0x77: {  	_ =	shalt  }
0x78: {  	_ =	shalt  }
0x79: {  	_ =	shalt  }
0x7a: {  	_ =	shalt  }
0x7b: {  	_ =	shalt  }
0x7c: {  	_ =	shalt  }
0x7d: {  	_ =	shalt  }
0x7e: {  	_ =	shalt  }
0x7f: {  	_ =	shalt  }
0x80: {  	_ =	shalt  }
0x81: {  	_ =	shalt  }
0x82: {  	_ =	shalt  }
0x83: {  	_ =	shalt  }
0x84: {  	_ =	shalt  }
0x85: {  	_ =	shalt  }
0x86: {  	_ =	shalt  }
0x87: {  	_ =	shalt  }
.Lfunc_end0:
.L_simem_size_0:
called_computation.1_lowered:
.L_overlay_start_0:
0x88: {  	s2 =	sld [smem:$0x3FD9]  }
0x89: {  	s3 =	sld [smem:$0x3FFE];
	_ =	sdelay $0x1  }
0x8a: {  	s1 =	srdreg.scid  }
0x8b: {  	s0 =	sand.u32 $0x1, s1  }
0x8c: {  	s14 =	sshll.u32 s0, $0xA;
	s2 =	sadd.s32 s3, s2  }
0x8d: {  	s2 =	sadd.s32 s2, s14  }
0x8e: {  	[smem:$0x3FBE] =	sst s2  }
0x8f: {  	_ = 	snop  }
0x90: {  	s2 =	sld [smem:$0x3FD0];
	_ =	sdelay $0x2  }
0x91: {  	s15 =	simm.s32 $0xA;
	s4 =	simm.s32 $0x10  }
0x92: {  	[smem:s4], [sflag:s15] =	dma.local [hbm:s2], $0x1  }
0x93: {  	_ =	swait.eq [sflag:s15], $0x1  }
0x94: {  	[sflag:s15] =	ssyncset.done $0x0  }
0x95: {  	s16 =	sld [smem:$0x10];
	[sflag:s15] =	ssyncadd.s32 $0xFFFFFFFF  }
0x96: {  	s17 =	sld [smem:$0x11];
	(tm) =	ssettm $0x1  }
0x97: {  	s18 =	sld [smem:$0x3FFB];
	_ =	sdelay $0x3  }
0x98: {  	_ =	strace s18  }
0x99: {  	s4 =	sld [smem:$0x3FFC];
	_ =	sdelay $0x3  }
0x9a: {  	_ =	strace s4  }
0x9b: {  	s4 =	sld [smem:$0x3FFD];
	_ =	sdelay $0x3  }
0x9c: {  	_ =	strace s4  }
0x9d: {  	_ =	strace $0x8FFFFFFF  }
0x9e: {  	s19 =	sld [smem:$0x3FDB];
	_ =	sdelay $0x1  }
0x9f: {  	s5 =	simm.s32 $_scs_section_size  }
0xa0: {  	s6 =	simm.s32 $_size__tile_overlayer_lowered;
	s7 =	simm.s32 $_tile_overlayer_lowered  }
0xa1: {  	s22 =	simm.s32 $0x1BFF;
	s21 =	sshll.u32 s7, $0x1;
	s4 =	sadd.s32 s5, s19  }
0xa2: {  	s8 =	simm.s32 $0x0;
	s20 =	sshll.u32 s6, $0x1;
	s6 =	sadd.s32 s21, s4  }
0xa3: {  	[timem:s8], [sflag:s22] =	dma.local [hbm:s6], s20  }
0xa4: {  	_ =	swait.ge [sflag:s22], s20  }
0xa5: {  	s5 =	ssub.s32 $0x0, s20;
	[sflag:s22] =	ssyncset.done $0x0  }
0xa6: {  	[sflag:s22] =	ssyncadd.s32 s5;
	_ =	sdelay $0x1  }
0xa7: {  	s23 =	simm.s32 $0x1B8B  }
0xa8: {  	_ =	swait.ge [sflag:s23], $0x1  }
0xa9: {  	[sflag:s23] =	ssyncset.done $0x0  }
0xaa: {  	s25 =	simm.s32 $0x1B8E;
	s24 =	sld [smem:$0x3FFE];
	[sflag:s23] =	ssyncadd.s32 $0xFFFFFFFF  }
0xab: {  	s26 =	simm.s32 $execute0_lowered;
	[smem:$0x3FD2] =	sst s25  }
0xac: {  	s6 =	sshll.u32 s26, $0x1;
	_ =	strace $0x80000049;
	[dreg:$0x1] =	wrdreg $0xFFFFFFFF  }
0xad: {  	s28 =	simm.s32 $_size_execute0_lowered;
	s4 =	sadd.s32 s4, s6;
	[dreg:$0x0] =	wrdreg $0x0  }
0xae: {  	s6 =	sshll.u32 s28, $0x1;
	[dreg:$0x2] =	wrdreg s4  }
0xaf: {  	[dreg:$0x3] =	wrdreg s6  }
0xb0: {  	[dreg:$0x4] =	wrdreg $0xC0  }
0xb1: {  	_ =	task [dreg:s8], $0x5FFFF  }
0xb2: {  	[dreg:$0x1] =	wrdreg $0xFFFFFFFF  }
0xb3: {  	[dreg:$0x0] =	wrdreg $0x60  }
0xb4: {  	[dreg:$0x2] =	wrdreg s24  }
0xb5: {  	[dreg:$0x3] =	wrdreg s17  }
0xb6: {  	[dreg:$0x4] =	wrdreg s16  }
0xb7: {  	[dreg:$0x5] =	wrdreg $0x90000  }
0xb8: {  	[dreg:$0x6] =	wrdreg $0x9  }
0xb9: {  	_ =	task.clear_ibuf [dreg:s8], $0x7FFFF;
	_ =	strace $0x90000049  }
0xba: {  	s29 =	simm.s32 $0x9;
	_ =	strace $0x8000004B  }
0xbb: {  	_ =	swait.ge [sflag:s29], $0x1  }
0xbc: {  	[sflag:s29] =	ssyncadd.s32 $0xFFFFFFFF  }
0xbd: {  	_ =	strace $0x9000004B  }
0xbe: {  	_ =	sfence  }
0xbf: {  	s30 =	sld [smem:$0x0];
	_ =	sdelay $0x2  }
0xc0: {  	s31 =	sshll.u32 s1, $0xD;
	s1 =	sshrl.u32 s1, $0x2  }
0xc1: {  	s3 =	sand.u32 $0x4000, s31;
	s1 =	sadd.s32 s1, s30  }
0xc2: {  	s0 =	sor.u32 s3, s0;
	s1 =	sshll.u32 s1, $0x11  }
0xc3: {  	s0 =	sor.u32 s1, s0  }
0xc4: {  	s0 =	sadd.s32 $0x8F2B, s0  }
0xc5: {  	[sflag:s0] =	ssyncadd.remote.s32 $0x1  }
0xc6: {  	_ =	sfence.sel $0xFFFF  }
0xc7: {  	[dreg:$0x0] =	wrdreg $0xFFFFFFFF;
	(pc) =	sbr.abs _section_cstart, $3  }
0xc8: {  	[dreg:$0x1] =	wrdreg $0xFFFFFFFF  }
0xc9: {  	_ =	task.clear_ibuf [dreg:s8], $0x2FFFF;
	_ =	strace $0x9FFFFFFF  }
0xca: {  	(tm) =	ssettm $0x7FFFFFFF  }
0xcb: {  	_ =	shalt  }
tec
execute0_lowered:
.L_overlay_start_1:
0x0: {  	(tag) =	ssettag $0x1  }
0x1: {  	s5 =	rddreg [dreg:$0x0]  }
0x2: {  	s10 =	rddreg [dreg:$0x1]  }
0x3: {  	s11 =	rddreg [dreg:$0x2]  }
0x4: {  	s2 =	rddreg [dreg:$0x3]  }
0x5: {  	s0 =	rddreg [dreg:$0x4]  }
0x6: {  	s3 =	simm.s32 $0x0;
	s1 =	stileid.u32;
	s6 =	srdreg.scid  }
0x7: {  	[smem:$0x7FF] =	sst s3;
	s7 =	smul.u32 $0x50000, s1;
	s4 =	sadd.s32 $0x51000, s5  }
0x8: {  	s12 =	sadd.s32 $0x9F200, s5;
	s13 =	sand.u32 $0x1, s6;
	s14 =	smul.u32 $0x500, s1  }
0x9: {  	s17 =	smul.u32 $0x14000, s1;
	s20 =	sadd.s32 $0x12C000, s2;
	p0 =	seq.s32 s1, $0xF  }
0xa: {  	s19 =	simm.s32 $0x1;
	_ =	strace $0x8000004A;
	s15 =	smul.u32 $0x138800, s13  }
0xb: {  	s6 =	ssub.s32 $0x2, s13;
	s18 =	smul.u32 $0x2710, s13;
	s20 =	sshrl.u32 @p0 s20, $0x3  }
0xc: {  	s29 =	sshrl.u32 s7, $0x2;
	s30 =	sshrl.u32 s6, $0x1;
	s10 =	sadd.s32 s10, s14  }
0xd: {  	s11 =	sadd.s32 s11, s14;
	s5 =	sadd.s32 s29, s2;
	s16 =	ssub.s32 s6, s30  }
0xe: {  	s17 =	sadd.s32 s17, s15;
	s15 =	sshrl.u32 s15, $0x3;
	v0 =	vmov s18;
	s18 =	simm.s32 $0x80  }
0xf: {  	s6 =	sadd.s32 $0x4000, s5;
	s7 =	sadd.s32 $0x8000, s5;
	s8 =	sadd.s32 $0xC000, s5  }
0x10: {  	s9 =	sadd.s32 $0x10000, s5;
	s31 =	sshrl.u32 s17, $0x3;
	s15 =	sadd.s32 s12, s15  }
0x11: {  	s14 =	smax.u32 s16, $0x1;
	s16 =	simm.s32 $0x2;
	s17 =	simm.s32 $0x2800  }
0x12: {  	v1 =	vimm.f32 $0.0e+00;
	s12 =	sadd.s32 s12, s31;
	s13 =	sadd.s32 $0x25800, s15;
	s15 =	simm.s32 $0x5000  }
.LBB2_1:
0x13: {  	s21 =	simm.s32 $0x0;
	s22 =	simm.s32 $0x200  }
.LBB2_2:
0x14: {  	p1 =	sne.s32 s22, $0xFE00;
	[tilespmem:s21+$0x5070] =	vst v1  }
0x15: {  	[tilespmem:s21+$0x5000] =	vst v1  }
0x16: {  	[tilespmem:s21+$0x5010] =	vst v1  }
.Ltmp0:
0x17: {  	[tilespmem:s21+$0x5020] =	vst v1;
	(pc) =	sbr.rel @p1 .LBB2_2-.Ltmp0, $4  }
0x18: {  	[tilespmem:s21+$0x5030] =	vst v1  }
0x19: {  	[tilespmem:s21+$0x5040] =	vst v1  }
0x1a: {  	[tilespmem:s21+$0x5050] =	vst v1  }
0x1b: {  	[tilespmem:s21+$0x5060] =	vst v1;
	s21 =	sshra.s32 s22, $0x2;
	s22 =	sadd.s32 $0x200, s22  }
0x1c: {  	[tilespmem:s21+$0x5070] =	vst v1  }
0x1d: {  	[tilespmem:s21+$0x5000] =	vst v1  }
0x1e: {  	[tilespmem:s21+$0x5010] =	vst v1  }
0x1f: {  	[tilespmem:s21+$0x5020] =	vst v1  }
0x20: {  	[tilespmem:s21+$0x5030] =	vst v1  }
0x21: {  	[tilespmem:s21+$0x5040] =	vst v1  }
0x22: {  	[tilespmem:s21+$0x5050] =	vst v1  }
0x23: {  	[tilespmem:s21+$0x5060] =	vst v1  }
0x24: {  	[spmem:s5] =	stream.linear.scatter [tilespmem:s15], [sflag:$0x2], $0x4000, $0x38;
	[tilespmem:$0x1D000] =	vst v63  }
0x25: {  	_ =	swait.ge [sflag:s16], $0x4000  }
0x26: {  	[sflag:s16] =	ssyncset.done $0x0  }
0x27: {  	[sflag:s16] =	ssyncadd.s32 $0xFFFFC000  }
0x28: {  	[spmem:s6] =	stream.linear.scatter [tilespmem:s15], [sflag:$0x2], $0x4000, $0x38;
	[tilespmem:$0x1D000] =	vst v63  }
0x29: {  	_ =	swait.ge [sflag:s16], $0x4000  }
0x2a: {  	[sflag:s16] =	ssyncset.done $0x0  }
0x2b: {  	[sflag:s16] =	ssyncadd.s32 $0xFFFFC000  }
0x2c: {  	[spmem:s7] =	stream.linear.scatter [tilespmem:s15], [sflag:$0x2], $0x4000, $0x38;
	[tilespmem:$0x1D000] =	vst v63  }
0x2d: {  	_ =	swait.ge [sflag:s16], $0x4000  }
0x2e: {  	[sflag:s16] =	ssyncset.done $0x0  }
0x2f: {  	[sflag:s16] =	ssyncadd.s32 $0xFFFFC000  }
0x30: {  	[spmem:s8] =	stream.linear.scatter [tilespmem:s15], [sflag:$0x2], $0x4000, $0x38;
	[tilespmem:$0x1D000] =	vst v63  }
0x31: {  	_ =	swait.ge [sflag:s16], $0x4000  }
0x32: {  	[sflag:s16] =	ssyncset.done $0x0  }
0x33: {  	[sflag:s16] =	ssyncadd.s32 $0xFFFFC000  }
0x34: {  	[spmem:s9] =	stream.linear.scatter [tilespmem:s15], [sflag:$0x2], $0x4000, $0x38;
	[tilespmem:$0x1D000] =	vst v63  }
0x35: {  	_ =	swait.ge [sflag:s16], $0x4000  }
0x36: {  	[sflag:s16] =	ssyncset.done $0x0  }
0x37: {  	s31 =	simm.s32 $0x0;
	[sflag:s16] =	ssyncadd.s32 $0xFFFFC000  }
0x38: {  	[tilespmem:s31], [sflag:$0x2] =	stream.linear.gather [hbm4b:s10+s31], $0x2800, $0x38;
	[tilespmem:$0x1D000] =	vst v63  }
0x39: {  	_ =	swait.ge [sflag:s16], $0x2800  }
0x3a: {  	[sflag:s16] =	ssyncset.done $0x0  }
0x3b: {  	[sflag:s16] =	ssyncadd.s32 $0xFFFFD800  }
0x3c: {  	[tilespmem:s17], [sflag:$0x2] =	stream.linear.gather [hbm4b:s11+s31], $0x2800, $0x38;
	[tilespmem:$0x1D000] =	vst v63  }
0x3d: {  	_ =	swait.ge [sflag:s16], $0x2800  }
0x3e: {  	[sflag:s16] =	ssyncset.done $0x0  }
0x3f: {  	s21 =	simm.s32 $0x0;
	[sflag:s16] =	ssyncadd.s32 $0xFFFFD800  }
0x40: {  	v4 =	vld [tilespmem:s21+$0x0]  }
0x41: {  	v6 =	vld [tilespmem:s21+$0x10]  }
0x42: {  	v5 =	vld [tilespmem:s21+$0x20]  }
0x43: {  	v3 =	vld [tilespmem:s21+$0x30]  }
0x44: {  	v2 =	vld [tilespmem:s21+$0x40]  }
0x45: {  	v7 =	vadd.s32 v0, v4;
	v4 =	vld [tilespmem:s21+$0x50]  }
0x46: {  	s22 =	simm.s32 $0x200;
	[tilespmem:s21+$0x0] =	vst v7;
	v7 =	vadd.s32 v0, v6;
	v6 =	vld [tilespmem:s21+$0x60]  }
.LBB2_4:
0x47: {  	s23 =	sshra.s32 s22, $0x2;
	p1 =	sne.s32 s22, $0x9E00;
	[tilespmem:s21+$0x10] =	vst v7;
	v5 =	vadd.s32 v0, v5;
	v7 =	vld [tilespmem:s21+$0x70]  }
0x48: {  	v8 =	vld [tilespmem:s23+$0x0];
	[tilespmem:s21+$0x20] =	vst v5;
	v3 =	vadd.s32 v0, v3  }
0x49: {  	v9 =	vld [tilespmem:s23+$0x10];
	[tilespmem:s21+$0x30] =	vst v3;
	v2 =	vadd.s32 v0, v2  }
.Ltmp1:
0x4a: {  	v5 =	vld [tilespmem:s23+$0x20];
	[tilespmem:s21+$0x40] =	vst v2;
	v2 =	vadd.s32 v0, v4;
	(pc) =	sbr.rel @p1 .LBB2_4-.Ltmp1, $4  }
0x4b: {  	v3 =	vld [tilespmem:s23+$0x30];
	[tilespmem:s21+$0x50] =	vst v2;
	v4 =	vadd.s32 v0, v6  }
0x4c: {  	v2 =	vld [tilespmem:s23+$0x40];
	[tilespmem:s21+$0x60] =	vst v4;
	v6 =	vadd.s32 v0, v7  }
0x4d: {  	v7 =	vadd.s32 v0, v8;
	v4 =	vld [tilespmem:s23+$0x50];
	[tilespmem:s21+$0x70] =	vst v6;
	s21 =	smov.u32 s23  }
0x4e: {  	s22 =	sadd.s32 $0x200, s22;
	[tilespmem:s21+$0x0] =	vst v7;
	v7 =	vadd.s32 v0, v9;
	v6 =	vld [tilespmem:s21+$0x60]  }
0x4f: {  	[tilespmem:s21+$0x10] =	vst v7;
	v5 =	vadd.s32 v0, v5;
	v63 =	vld [tilespmem:s21+$0x70]  }
0x50: {  	[tilespmem:s21+$0x20] =	vst v5;
	v3 =	vadd.s32 v0, v3  }
0x51: {  	[tilespmem:s21+$0x30] =	vst v3;
	v2 =	vadd.s32 v0, v2  }
0x52: {  	[tilespmem:s21+$0x40] =	vst v2;
	v2 =	vadd.s32 v0, v4  }
0x53: {  	[tilespmem:s21+$0x50] =	vst v2;
	v2 =	vadd.s32 v0, v6  }
0x54: {  	[tilespmem:s21+$0x60] =	vst v2;
	v2 =	vadd.s32 v0, v63  }
0x55: {  	[tilespmem:s21+$0x70] =	vst v2  }
0x56: {  	s30 =	simm.s32 $0x0;
	[bflag:$0x0] =	sbarrier.arrive $0xFFFF  }
0x57: {  	[tilespmem:s15], [sflag:$0x1] =	stream.indirect.gather [hbm4b:s4+s18], $0x80, s30, s18, $0xb8;
	[tilespmem:$0x1D000] =	vst v63  }
0x58: {  	_ =	swait.ge [sflag:s19], $0x4000  }
0x59: {  	[sflag:s19] =	ssyncset.done $0x0  }
0x5a: {  	s31 =	simm.s32 $0x2800;
	[sflag:s19] =	ssyncadd.s32 $0xFFFFC000  }
0x5b: {  	[spmem:s2] =	stream.indirect.scatter.add.f32 [tilespmem:s15], [sflag:$0x2], $0x80, s31, s18, $0xb8;
	[tilespmem:$0x1D000] =	vst v63  }
0x5c: {  	_ =	swait.ge [sflag:s16], $0x4000  }
0x5d: {  	s22 =	simm.s32 $0x400;
	s21 =	simm.s32 $0x200;
	[sflag:s16] =	ssyncset.done $0x0  }
.LBB2_6:
0x5e: {  	s23 =	sshra.s32 s21, $0x2  }
0x5f: {  	[sflag:s16] =	ssyncadd.s32 $0xFFFFC000;
	s21 =	smov.u32 s22;
	s24 =	sadd.s32 $0x200, s22  }
0x60: {  	[tilespmem:s15], [sflag:$0x1] =	stream.indirect.gather [hbm4b:s4+s18], $0x80, s23, s18, $0xb8;
	[tilespmem:$0x1D000] =	vst v63  }
0x61: {  	p1 =	sne.s32 s22, $0x9E00;
	_ =	swait.ge [sflag:s19], $0x4000  }
.Ltmp2:
0x62: {  	[sflag:s19] =	ssyncset.done $0x0;
	(pc) =	sbr.rel @p1 .LBB2_6-.Ltmp2, $4  }
0x63: {  	s22 =	sadd.s32 $0x2800, s23;
	[sflag:s19] =	ssyncadd.s32 $0xFFFFC000  }
0x64: {  	[spmem:s2] =	stream.indirect.scatter.add.f32 [tilespmem:s15], [sflag:$0x2], $0x80, s22, s18, $0xb8;
	[tilespmem:$0x1D000] =	vst v63  }
0x65: {  	_ =	swait.ge [sflag:s16], $0x4000  }
0x66: {  	s22 =	smov.u32 s24;
	[sflag:s16] =	ssyncset.done $0x0  }
0x67: {  	s21 =	sshra.s32 s21, $0x2;
	[sflag:s16] =	ssyncadd.s32 $0xFFFFC000  }
0x68: {  	[tilespmem:s15], [sflag:$0x1] =	stream.indirect.gather [hbm4b:s4+s18], $0x80, s21, s18, $0xb8;
	[tilespmem:$0x1D000] =	vst v63  }
0x69: {  	_ =	swait.ge [sflag:s19], $0x4000  }
0x6a: {  	[sflag:s19] =	ssyncset.done $0x0  }
0x6b: {  	s21 =	sadd.s32 $0x2800, s21;
	[sflag:s19] =	ssyncadd.s32 $0xFFFFC000  }
0x6c: {  	[spmem:s2] =	stream.indirect.scatter.add.f32 [tilespmem:s15], [sflag:$0x2], $0x80, s21, s18, $0xb8;
	[tilespmem:$0x1D000] =	vst v63  }
0x6d: {  	_ =	swait.ge [sflag:s16], $0x4000  }
0x6e: {  	[sflag:s16] =	ssyncset.done $0x0  }
0x6f: {  	[sflag:s16] =	ssyncadd.s32 $0xFFFFC000  }
0x70: {  	s21 =	simm.s32 @p0 $0x1FC2;
	[bflag:$0x0] =	sbarrier.arrive $0xFFFF  }
0x71: {  	[hbm:s13], [sflag:s21] =	dma.local @p0 [spmem:s20], $0x1900  }
0x72: {  	s21 =	simm.s32 @p0 $0x2  }
0x73: {  	s3 =	sadd.s32 $0x1, s3;
	_ =	swait.ge @p0 [sflag:s21], $0x1900  }
0x74: {  	s22 =	sshll.u32 @!p0 s1, $0x6;
	p1 =	sne.s32 s3, s14;
	[sflag:s21] =	ssyncset.done @p0 $0x0  }
0x75: {  	[sflag:s21] =	ssyncadd.s32 @p0 $0xFFFFE700;
	s21 =	sor.u32 @!p0 $0x1C02, s22;
	s22 =	sshrl.u32 @!p0 s5, $0x3  }
0x76: {  	[hbm:s12], [sflag:s21] =	dma.local @!p0 [spmem:s22], $0x2800  }
.Ltmp3:
0x77: {  	_ = 	snop;
	(pc) =	sbr.rel @p1 .LBB2_1-.Ltmp3, $4  }
0x78: {  	s21 =	simm.s32 @!p0 $0x2  }
0x79: {  	_ =	swait.ge @!p0 [sflag:s21], $0x2800  }
0x7a: {  	[sflag:s21] =	ssyncset.done @!p0 $0x0  }
0x7b: {  	[sflag:s21] =	ssyncadd.s32 @!p0 $0xFFFFD800  }
0x7c: {  	_ =	sfence.sel $0x180000  }
0x7d: {  	[bflag:$0x0] =	sbarrier.arrive $0xFFFF  }
0x7e: {  	p0 =	sne.s32 s1, $0x0;
	_ =	strace $0x9000004A  }
0x7f: {  	s0 =	sadd.s32 @!p0 $0x100000, s0;
	[bflag:$0x2] =	sbarrier.arrive $0xFFFF  }
0x80: {  	[sflag:s0] =	ssyncadd.tile.s32 @!p0 $0x1;
	_ =	shalt  }
.Lfunc_end2:
_tile_overlayer_lowered:
.L_overlay_start_2:
0x81: {  	(tag) =	ssettag $0x2  }
0x82: {  	s0 =	rddreg [dreg:$0x0];
	s2 =	stileid.u32  }
0x83: {  	s1 =	rddreg [dreg:$0x1];
	p0 =	sne.s32 s2, $0x0  }
0x84: {  	s3 =	rddreg [dreg:$0x2];
	[bflag:$0x3] =	sbarrier.arrive $0xFFFF;
	s2 =	simm.s32 @!p0 $0x1C02  }
0x85: {  	[timem:s3], [sflag:s2] =	dma.local @!p0 [hbm:s0], s1  }
0x86: {  	s0 =	simm.s32 @!p0 $0x2  }
0x87: {  	_ =	swait.ge @!p0 [sflag:s0], s1  }
0x88: {  	s1 =	ssub.s32 @!p0 $0x0, s1;
	[sflag:s0] =	ssyncset.done @!p0 $0x0  }
0x89: {  	[sflag:s0] =	ssyncadd.s32 @!p0 s1  }
0x8a: {  	[bflag:$0x3] =	sbarrier.arrive $0xFFFF  }
0x8b: {  	_ =	shalt  }

// kernel: kernel.15.cloned.1.call-start
scs
__scs_entry_jumppad:
0x0: {  	(pc) =	sbr.rel $0x88, $3  }
0x1: {  	(tag) =	ssettag $0x0;
	lr =	simm.s32 $0x1  }
0x2: {  	[smem:$0x3F97] =	sst lr;
	_ =	strace $0xD0000000  }
0x3: {  	_ = 	snop  }
0x4: {  	_ = 	snop  }
0x5: {  	_ = 	snop  }
0x6: {  	_ = 	snop  }
0x7: {  	_ = 	snop  }
__scs_overlays_trampoline_lowered:
0x8: {  	[smem:$0x3FA6] =	sst s0  }
0x9: {  	[smem:$0x3FA7] =	sst s1  }
0xa: {  	[smem:$0x3FA8] =	sst s2  }
0xb: {  	[smem:$0x3FA9] =	sst s3  }
0xc: {  	[smem:$0x3FAA] =	sst s4  }
0xd: {  	[smem:$0x3FAB] =	sst s5  }
0xe: {  	[smem:$0x3FAC] =	sst s6  }
0xf: {  	[smem:$0x3FAD] =	sst s7  }
0x10: {  	[smem:$0x3FAE] =	sst s8  }
0x11: {  	[smem:$0x3FAF] =	sst s9;
	s0 =	simm.s32 @!p0 $0x0  }
0x12: {  	s1 =	sld [smem:$0x3F95];
	s0 =	simm.s32 @p0 $0x1  }
0x13: {  	[smem:$0x3FB0] =	sst s0;
	s0 =	simm.s32 @!p1 $0x0  }
0x14: {  	s2 =	sld [smem:$0x3F94];
	s0 =	simm.s32 @p1 $0x1  }
0x15: {  	[smem:$0x3FB1] =	sst s0;
	s0 =	simm.s32 @!p2 $0x0  }
0x16: {  	s3 =	sld [smem:$0x3FDB];
	s0 =	simm.s32 @p2 $0x1  }
0x17: {  	s4 =	simm.s32 $0x1BF5;
	[smem:$0x3FB3] =	sst s0  }
0x18: {  	s0 =	sld [smem:$0x3F96];
	_ =	swait.ge [sflag:s4], $0x0  }
0x19: {  	s7 =	sld [smem:$0x3F97]  }
0x1a: {  	s8 =	sadd.s32 $0xFFFFE003, lr  }
0x1b: {  	s9 =	sadd.s32 $0xFFFFFEF7, lr;
	s5 =	simm.s32 $0xFFFFFFFF;
	p2 =	slt.u32 s8, $0xFFFFF086  }
0x1c: {  	p1 =	slt.u32 s9, $0xF7A;
	s5 =	simm.s32 @!p2 $0x0  }
0x1d: {  	s5 =	simm.s32 @p1 $0x1;
	p0 =	seq.s32 s7, s2  }
0x1e: {  	s7 =	smul.u32 @!p0 $0xF7A, s2;
	p2 =	seq.s32 @!p0 s5, $0x0  }
0x1f: {  	s9 =	smul.u32 $0xF7A, s1;
	s8 =	simm.s32 @!p0 $0x1BF5;
	p2 =	por !p2, p0  }
0x20: {  	[sflag:s8] =	ssyncset.s32 @!p0 $0xFFFFF086;
	s6 =	sadd.s32 @!p0 s3, s7;
	s7 =	simm.s32 @!p0 $0x108  }
0x21: {  	s3 =	sadd.s32 s3, s9;
	s6 =	sadd.s32 @!p0 $0x88, s6;
	s7 =	simm.s32 @p2 $0x1082  }
0x22: {  	[simem:s7], [sflag:s8] =	dma.local @!p0 [hbm:s6], $0xF7A  }
0x23: {  	s9 =	sor.u32 $0xD0000000, s2;
	s6 =	simm.s32 $0x108;
	_ =	swait.ge @!p0 [sflag:s8], $0x0  }
0x24: {  	s3 =	sadd.s32 $0x88, s3;
	s6 =	simm.s32 @!p1 $0x1082;
	[sflag:s4] =	ssyncset.s32 $0xFFFFF086  }
0x25: {  	[simem:s6], [sflag:s4] =	dma.local [hbm:s3], $0xF7A  }
0x26: {  	[smem:$0x3F97] =	sst s1;
	(tag) =	ssettag s2;
	_ =	strace s9  }
0x27: {  	s1 =	sld [smem:$0x3FA7]  }
0x28: {  	s2 =	sld [smem:$0x3FA8]  }
0x29: {  	s4 =	sld [smem:$0x3FAA]  }
0x2a: {  	p0 =	seq.s32 s5, $0x0;
	s5 =	sld [smem:$0x3FAB]  }
0x2b: {  	s6 =	sld [smem:$0x3FAC]  }
0x2c: {  	s7 =	sld [smem:$0x3FAD]  }
0x2d: {  	s3 =	simm.s32 $0x108;
	s8 =	sld [smem:$0x3FAE]  }
0x2e: {  	s3 =	simm.s32 @!p0 $0x1082;
	s9 =	sld [smem:$0x3FAF]  }
0x2f: {  	lr =	sadd.s32 s0, s3;
	s0 =	sld [smem:$0x3FA6]  }
0x30: {  	s3 =	sld [smem:$0x3FA9]  }
0x31: {  	[smem:$0x3FB2] =	sst s10  }
0x32: {  	s10 =	sld [smem:$0x3FB0];
	_ =	sdelay $0x3  }
0x33: {  	p0 =	seq.s32 s10, $0x1;
	s10 =	sld [smem:$0x3FB2];
	_ =	sdelay $0x3  }
0x34: {  	[smem:$0x3FB2] =	sst s10  }
0x35: {  	s10 =	sld [smem:$0x3FB1];
	_ =	sdelay $0x3  }
0x36: {  	p1 =	seq.s32 s10, $0x1;
	s10 =	sld [smem:$0x3FB2];
	_ =	sdelay $0x3  }
0x37: {  	[smem:$0x3FB2] =	sst s10  }
0x38: {  	s10 =	sld [smem:$0x3FB3]  }
0x39: {  	_ = 	snop;
	(pc) =	sbr.ind lr, $3  }
0x3a: {  	_ = 	snop  }
0x3b: {  	_ = 	snop  }
0x3c: {  	p2 =	seq.s32 s10, $0x1;
	s10 =	sld [smem:$0x3FB2]  }
0x3d: {  	_ =	shalt  }
0x3e: {  	_ =	shalt  }
0x3f: {  	_ =	shalt  }
0x40: {  	_ =	shalt  }
0x41: {  	_ =	shalt  }
0x42: {  	_ =	shalt  }
0x43: {  	_ =	shalt  }
0x44: {  	_ =	shalt  }
0x45: {  	_ =	shalt  }
0x46: {  	_ =	shalt  }
0x47: {  	_ =	shalt  }
0x48: {  	_ =	shalt  }
0x49: {  	_ =	shalt  }
0x4a: {  	_ =	shalt  }
0x4b: {  	_ =	shalt  }
0x4c: {  	_ =	shalt  }
0x4d: {  	_ =	shalt  }
0x4e: {  	_ =	shalt  }
0x4f: {  	_ =	shalt  }
0x50: {  	_ =	shalt  }
0x51: {  	_ =	shalt  }
0x52: {  	_ =	shalt  }
0x53: {  	_ =	shalt  }
0x54: {  	_ =	shalt  }
0x55: {  	_ =	shalt  }
0x56: {  	_ =	shalt  }
0x57: {  	_ =	shalt  }
0x58: {  	_ =	shalt  }
0x59: {  	_ =	shalt  }
0x5a: {  	_ =	shalt  }
0x5b: {  	_ =	shalt  }
0x5c: {  	_ =	shalt  }
0x5d: {  	_ =	shalt  }
0x5e: {  	_ =	shalt  }
0x5f: {  	_ =	shalt  }
0x60: {  	_ =	shalt  }
0x61: {  	_ =	shalt  }
0x62: {  	_ =	shalt  }
0x63: {  	_ =	shalt  }
0x64: {  	_ =	shalt  }
0x65: {  	_ =	shalt  }
0x66: {  	_ =	shalt  }
0x67: {  	_ =	shalt  }
0x68: {  	_ =	shalt  }
0x69: {  	_ =	shalt  }
0x6a: {  	_ =	shalt  }
0x6b: {  	_ =	shalt  }
0x6c: {  	_ =	shalt  }
0x6d: {  	_ =	shalt  }
0x6e: {  	_ =	shalt  }
0x6f: {  	_ =	shalt  }
0x70: {  	_ =	shalt  }
0x71: {  	_ =	shalt  }
0x72: {  	_ =	shalt  }
0x73: {  	_ =	shalt  }
0x74: {  	_ =	shalt  }
0x75: {  	_ =	shalt  }
0x76: {  	_ =	shalt  }
0x77: {  	_ =	shalt  }
0x78: {  	_ =	shalt  }
0x79: {  	_ =	shalt  }
0x7a: {  	_ =	shalt  }
0x7b: {  	_ =	shalt  }
0x7c: {  	_ =	shalt  }
0x7d: {  	_ =	shalt  }
0x7e: {  	_ =	shalt  }
0x7f: {  	_ =	shalt  }
0x80: {  	_ =	shalt  }
0x81: {  	_ =	shalt  }
0x82: {  	_ =	shalt  }
0x83: {  	_ =	shalt  }
0x84: {  	_ =	shalt  }
0x85: {  	_ =	shalt  }
0x86: {  	_ =	shalt  }
0x87: {  	_ =	shalt  }
.Lfunc_end0:
.L_simem_size_0:
called_computation.2_lowered:
.L_overlay_start_0:
0x88: {  	s2 =	sld [smem:$0x3FD9]  }
0x89: {  	s3 =	sld [smem:$0x3FFE];
	_ =	sdelay $0x1  }
0x8a: {  	s1 =	srdreg.scid  }
0x8b: {  	s0 =	sand.u32 $0x1, s1  }
0x8c: {  	s14 =	sshll.u32 s0, $0xA;
	s2 =	sadd.s32 s3, s2  }
0x8d: {  	s2 =	sadd.s32 s2, s14  }
0x8e: {  	[smem:$0x3FBE] =	sst s2  }
0x8f: {  	_ = 	snop  }
0x90: {  	s2 =	sld [smem:$0x3FD0];
	_ =	sdelay $0x2  }
0x91: {  	s15 =	simm.s32 $0xA;
	s4 =	simm.s32 $0x10  }
0x92: {  	[smem:s4], [sflag:s15] =	dma.local [hbm:s2], $0x1  }
0x93: {  	_ =	swait.eq [sflag:s15], $0x1  }
0x94: {  	[sflag:s15] =	ssyncset.done $0x0  }
0x95: {  	s16 =	sld [smem:$0x10];
	[sflag:s15] =	ssyncadd.s32 $0xFFFFFFFF  }
0x96: {  	s17 =	sld [smem:$0x11];
	(tm) =	ssettm $0x1  }
0x97: {  	s18 =	sld [smem:$0x3FFB];
	_ =	sdelay $0x3  }
0x98: {  	_ =	strace s18  }
0x99: {  	s4 =	sld [smem:$0x3FFC];
	_ =	sdelay $0x3  }
0x9a: {  	_ =	strace s4  }
0x9b: {  	s4 =	sld [smem:$0x3FFD];
	_ =	sdelay $0x3  }
0x9c: {  	_ =	strace s4  }
0x9d: {  	_ =	strace $0x8FFFFFFF  }
0x9e: {  	s19 =	sld [smem:$0x3FDB];
	_ =	sdelay $0x1  }
0x9f: {  	s5 =	simm.s32 $_scs_section_size  }
0xa0: {  	s6 =	simm.s32 $_size__tile_overlayer_lowered;
	s7 =	simm.s32 $_tile_overlayer_lowered  }
0xa1: {  	s22 =	simm.s32 $0x1BFF;
	s21 =	sshll.u32 s7, $0x1;
	s4 =	sadd.s32 s5, s19  }
0xa2: {  	s8 =	simm.s32 $0x0;
	s20 =	sshll.u32 s6, $0x1;
	s6 =	sadd.s32 s21, s4  }
0xa3: {  	[timem:s8], [sflag:s22] =	dma.local [hbm:s6], s20  }
0xa4: {  	_ =	swait.ge [sflag:s22], s20  }
0xa5: {  	s5 =	ssub.s32 $0x0, s20;
	[sflag:s22] =	ssyncset.done $0x0  }
0xa6: {  	[sflag:s22] =	ssyncadd.s32 s5;
	_ =	sdelay $0x1  }
0xa7: {  	s23 =	simm.s32 $0x1B8B  }
0xa8: {  	_ =	swait.ge [sflag:s23], $0x1  }
0xa9: {  	[sflag:s23] =	ssyncset.done $0x0  }
0xaa: {  	s25 =	simm.s32 $0x1B8E;
	s24 =	sld [smem:$0x3FFE];
	[sflag:s23] =	ssyncadd.s32 $0xFFFFFFFF  }
0xab: {  	s26 =	simm.s32 $execute0_lowered;
	[smem:$0x3FD2] =	sst s25  }
0xac: {  	s6 =	sshll.u32 s26, $0x1;
	_ =	strace $0x8000004C;
	[dreg:$0x1] =	wrdreg $0xFFFFFFFF  }
0xad: {  	s28 =	simm.s32 $_size_execute0_lowered;
	s4 =	sadd.s32 s4, s6;
	[dreg:$0x0] =	wrdreg $0x0  }
0xae: {  	s6 =	sshll.u32 s28, $0x1;
	[dreg:$0x2] =	wrdreg s4  }
0xaf: {  	[dreg:$0x3] =	wrdreg s6  }
0xb0: {  	[dreg:$0x4] =	wrdreg $0xC0  }
0xb1: {  	_ =	task [dreg:s8], $0x5FFFF  }
0xb2: {  	[dreg:$0x1] =	wrdreg $0xFFFFFFFF  }
0xb3: {  	[dreg:$0x0] =	wrdreg $0x60  }
0xb4: {  	[dreg:$0x2] =	wrdreg s24  }
0xb5: {  	[dreg:$0x3] =	wrdreg s17  }
0xb6: {  	[dreg:$0x4] =	wrdreg s16  }
0xb7: {  	[dreg:$0x5] =	wrdreg $0x90000  }
0xb8: {  	[dreg:$0x6] =	wrdreg $0x9  }
0xb9: {  	_ =	task.clear_ibuf [dreg:s8], $0x7FFFF;
	_ =	strace $0x9000004C  }
0xba: {  	s29 =	simm.s32 $0x9;
	_ =	strace $0x8000004E  }
0xbb: {  	_ =	swait.ge [sflag:s29], $0x1  }
0xbc: {  	[sflag:s29] =	ssyncadd.s32 $0xFFFFFFFF  }
0xbd: {  	_ =	strace $0x9000004E  }
0xbe: {  	_ =	sfence  }
0xbf: {  	s30 =	sld [smem:$0x0];
	_ =	sdelay $0x2  }
0xc0: {  	s31 =	sshll.u32 s1, $0xD;
	s1 =	sshrl.u32 s1, $0x2  }
0xc1: {  	s3 =	sand.u32 $0x4000, s31;
	s1 =	sadd.s32 s1, s30  }
0xc2: {  	s0 =	sor.u32 s3, s0;
	s1 =	sshll.u32 s1, $0x11  }
0xc3: {  	s0 =	sor.u32 s1, s0  }
0xc4: {  	s0 =	sadd.s32 $0x8F2B, s0  }
0xc5: {  	[sflag:s0] =	ssyncadd.remote.s32 $0x1  }
0xc6: {  	_ =	sfence.sel $0xFFFF  }
0xc7: {  	[dreg:$0x0] =	wrdreg $0xFFFFFFFF;
	(pc) =	sbr.abs _section_cstart, $3  }
0xc8: {  	[dreg:$0x1] =	wrdreg $0xFFFFFFFF  }
0xc9: {  	_ =	task.clear_ibuf [dreg:s8], $0x2FFFF;
	_ =	strace $0x9FFFFFFF  }
0xca: {  	(tm) =	ssettm $0x7FFFFFFF  }
0xcb: {  	_ =	shalt  }
tec
execute0_lowered:
.L_overlay_start_1:
0x0: {  	(tag) =	ssettag $0x1  }
0x1: {  	s5 =	rddreg [dreg:$0x0]  }
0x2: {  	s10 =	rddreg [dreg:$0x1]  }
0x3: {  	s11 =	rddreg [dreg:$0x2]  }
0x4: {  	s2 =	rddreg [dreg:$0x3]  }
0x5: {  	s0 =	rddreg [dreg:$0x4]  }
0x6: {  	s3 =	simm.s32 $0x0;
	s1 =	stileid.u32;
	s6 =	srdreg.scid  }
0x7: {  	[smem:$0x7FF] =	sst s3;
	s7 =	smul.u32 $0x50000, s1;
	s4 =	sadd.s32 $0x51000, s5  }
0x8: {  	s12 =	sadd.s32 $0x9F200, s5;
	s13 =	sand.u32 $0x1, s6;
	s14 =	smul.u32 $0x500, s1  }
0x9: {  	s17 =	smul.u32 $0x14000, s1;
	s20 =	sadd.s32 $0x12C000, s2;
	p0 =	seq.s32 s1, $0xF  }
0xa: {  	s19 =	simm.s32 $0x1;
	_ =	strace $0x8000004D;
	s15 =	smul.u32 $0x138800, s13  }
0xb: {  	s6 =	ssub.s32 $0x2, s13;
	s18 =	smul.u32 $0x2710, s13;
	s20 =	sshrl.u32 @p0 s20, $0x3  }
0xc: {  	s29 =	sshrl.u32 s7, $0x2;
	s30 =	sshrl.u32 s6, $0x1;
	s10 =	sadd.s32 s10, s14  }
0xd: {  	s11 =	sadd.s32 s11, s14;
	s5 =	sadd.s32 s29, s2;
	s16 =	ssub.s32 s6, s30  }
0xe: {  	s17 =	sadd.s32 s17, s15;
	s15 =	sshrl.u32 s15, $0x3;
	v0 =	vmov s18;
	s18 =	simm.s32 $0x80  }
0xf: {  	s6 =	sadd.s32 $0x4000, s5;
	s7 =	sadd.s32 $0x8000, s5;
	s8 =	sadd.s32 $0xC000, s5  }
0x10: {  	s9 =	sadd.s32 $0x10000, s5;
	s31 =	sshrl.u32 s17, $0x3;
	s15 =	sadd.s32 s12, s15  }
0x11: {  	s14 =	smax.u32 s16, $0x1;
	s16 =	simm.s32 $0x2;
	s17 =	simm.s32 $0x2800  }
0x12: {  	v1 =	vimm.f32 $0.0e+00;
	s12 =	sadd.s32 s12, s31;
	s13 =	sadd.s32 $0x25800, s15;
	s15 =	simm.s32 $0x5000  }
.LBB2_1:
0x13: {  	s21 =	simm.s32 $0x0;
	s22 =	simm.s32 $0x200  }
.LBB2_2:
0x14: {  	p1 =	sne.s32 s22, $0xFE00;
	[tilespmem:s21+$0x5070] =	vst v1  }
0x15: {  	[tilespmem:s21+$0x5000] =	vst v1  }
0x16: {  	[tilespmem:s21+$0x5010] =	vst v1  }
.Ltmp0:
0x17: {  	[tilespmem:s21+$0x5020] =	vst v1;
	(pc) =	sbr.rel @p1 .LBB2_2-.Ltmp0, $4  }
0x18: {  	[tilespmem:s21+$0x5030] =	vst v1  }
0x19: {  	[tilespmem:s21+$0x5040] =	vst v1  }
0x1a: {  	[tilespmem:s21+$0x5050] =	vst v1  }
0x1b: {  	[tilespmem:s21+$0x5060] =	vst v1;
	s21 =	sshra.s32 s22, $0x2;
	s22 =	sadd.s32 $0x200, s22  }
0x1c: {  	[tilespmem:s21+$0x5070] =	vst v1  }
0x1d: {  	[tilespmem:s21+$0x5000] =	vst v1  }
0x1e: {  	[tilespmem:s21+$0x5010] =	vst v1  }
0x1f: {  	[tilespmem:s21+$0x5020] =	vst v1  }
0x20: {  	[tilespmem:s21+$0x5030] =	vst v1  }
0x21: {  	[tilespmem:s21+$0x5040] =	vst v1  }
0x22: {  	[tilespmem:s21+$0x5050] =	vst v1  }
0x23: {  	[tilespmem:s21+$0x5060] =	vst v1  }
0x24: {  	[spmem:s5] =	stream.linear.scatter [tilespmem:s15], [sflag:$0x2], $0x4000, $0x38;
	[tilespmem:$0x1D000] =	vst v63  }
0x25: {  	_ =	swait.ge [sflag:s16], $0x4000  }
0x26: {  	[sflag:s16] =	ssyncset.done $0x0  }
0x27: {  	[sflag:s16] =	ssyncadd.s32 $0xFFFFC000  }
0x28: {  	[spmem:s6] =	stream.linear.scatter [tilespmem:s15], [sflag:$0x2], $0x4000, $0x38;
	[tilespmem:$0x1D000] =	vst v63  }
0x29: {  	_ =	swait.ge [sflag:s16], $0x4000  }
0x2a: {  	[sflag:s16] =	ssyncset.done $0x0  }
0x2b: {  	[sflag:s16] =	ssyncadd.s32 $0xFFFFC000  }
0x2c: {  	[spmem:s7] =	stream.linear.scatter [tilespmem:s15], [sflag:$0x2], $0x4000, $0x38;
	[tilespmem:$0x1D000] =	vst v63  }
0x2d: {  	_ =	swait.ge [sflag:s16], $0x4000  }
0x2e: {  	[sflag:s16] =	ssyncset.done $0x0  }
0x2f: {  	[sflag:s16] =	ssyncadd.s32 $0xFFFFC000  }
0x30: {  	[spmem:s8] =	stream.linear.scatter [tilespmem:s15], [sflag:$0x2], $0x4000, $0x38;
	[tilespmem:$0x1D000] =	vst v63  }
0x31: {  	_ =	swait.ge [sflag:s16], $0x4000  }
0x32: {  	[sflag:s16] =	ssyncset.done $0x0  }
0x33: {  	[sflag:s16] =	ssyncadd.s32 $0xFFFFC000  }
0x34: {  	[spmem:s9] =	stream.linear.scatter [tilespmem:s15], [sflag:$0x2], $0x4000, $0x38;
	[tilespmem:$0x1D000] =	vst v63  }
0x35: {  	_ =	swait.ge [sflag:s16], $0x4000  }
0x36: {  	[sflag:s16] =	ssyncset.done $0x0  }
0x37: {  	s31 =	simm.s32 $0x0;
	[sflag:s16] =	ssyncadd.s32 $0xFFFFC000  }
0x38: {  	[tilespmem:s31], [sflag:$0x2] =	stream.linear.gather [hbm4b:s10+s31], $0x2800, $0x38;
	[tilespmem:$0x1D000] =	vst v63  }
0x39: {  	_ =	swait.ge [sflag:s16], $0x2800  }
0x3a: {  	[sflag:s16] =	ssyncset.done $0x0  }
0x3b: {  	[sflag:s16] =	ssyncadd.s32 $0xFFFFD800  }
0x3c: {  	[tilespmem:s17], [sflag:$0x2] =	stream.linear.gather [hbm4b:s11+s31], $0x2800, $0x38;
	[tilespmem:$0x1D000] =	vst v63  }
0x3d: {  	_ =	swait.ge [sflag:s16], $0x2800  }
0x3e: {  	[sflag:s16] =	ssyncset.done $0x0  }
0x3f: {  	s21 =	simm.s32 $0x0;
	[sflag:s16] =	ssyncadd.s32 $0xFFFFD800  }
0x40: {  	v4 =	vld [tilespmem:s21+$0x0]  }
0x41: {  	v6 =	vld [tilespmem:s21+$0x10]  }
0x42: {  	v5 =	vld [tilespmem:s21+$0x20]  }
0x43: {  	v3 =	vld [tilespmem:s21+$0x30]  }
0x44: {  	v2 =	vld [tilespmem:s21+$0x40]  }
0x45: {  	v7 =	vadd.s32 v0, v4;
	v4 =	vld [tilespmem:s21+$0x50]  }
0x46: {  	s22 =	simm.s32 $0x200;
	[tilespmem:s21+$0x0] =	vst v7;
	v7 =	vadd.s32 v0, v6;
	v6 =	vld [tilespmem:s21+$0x60]  }
.LBB2_4:
0x47: {  	s23 =	sshra.s32 s22, $0x2;
	p1 =	sne.s32 s22, $0x9E00;
	[tilespmem:s21+$0x10] =	vst v7;
	v5 =	vadd.s32 v0, v5;
	v7 =	vld [tilespmem:s21+$0x70]  }
0x48: {  	v8 =	vld [tilespmem:s23+$0x0];
	[tilespmem:s21+$0x20] =	vst v5;
	v3 =	vadd.s32 v0, v3  }
0x49: {  	v9 =	vld [tilespmem:s23+$0x10];
	[tilespmem:s21+$0x30] =	vst v3;
	v2 =	vadd.s32 v0, v2  }
.Ltmp1:
0x4a: {  	v5 =	vld [tilespmem:s23+$0x20];
	[tilespmem:s21+$0x40] =	vst v2;
	v2 =	vadd.s32 v0, v4;
	(pc) =	sbr.rel @p1 .LBB2_4-.Ltmp1, $4  }
0x4b: {  	v3 =	vld [tilespmem:s23+$0x30];
	[tilespmem:s21+$0x50] =	vst v2;
	v4 =	vadd.s32 v0, v6  }
0x4c: {  	v2 =	vld [tilespmem:s23+$0x40];
	[tilespmem:s21+$0x60] =	vst v4;
	v6 =	vadd.s32 v0, v7  }
0x4d: {  	v7 =	vadd.s32 v0, v8;
	v4 =	vld [tilespmem:s23+$0x50];
	[tilespmem:s21+$0x70] =	vst v6;
	s21 =	smov.u32 s23  }
0x4e: {  	s22 =	sadd.s32 $0x200, s22;
	[tilespmem:s21+$0x0] =	vst v7;
	v7 =	vadd.s32 v0, v9;
	v6 =	vld [tilespmem:s21+$0x60]  }
0x4f: {  	[tilespmem:s21+$0x10] =	vst v7;
	v5 =	vadd.s32 v0, v5;
	v63 =	vld [tilespmem:s21+$0x70]  }
0x50: {  	[tilespmem:s21+$0x20] =	vst v5;
	v3 =	vadd.s32 v0, v3  }
0x51: {  	[tilespmem:s21+$0x30] =	vst v3;
	v2 =	vadd.s32 v0, v2  }
0x52: {  	[tilespmem:s21+$0x40] =	vst v2;
	v2 =	vadd.s32 v0, v4  }
0x53: {  	[tilespmem:s21+$0x50] =	vst v2;
	v2 =	vadd.s32 v0, v6  }
0x54: {  	[tilespmem:s21+$0x60] =	vst v2;
	v2 =	vadd.s32 v0, v63  }
0x55: {  	[tilespmem:s21+$0x70] =	vst v2  }
0x56: {  	s30 =	simm.s32 $0x0;
	[bflag:$0x0] =	sbarrier.arrive $0xFFFF  }
0x57: {  	[tilespmem:s15], [sflag:$0x1] =	stream.indirect.gather [hbm4b:s4+s18], $0x80, s30, s18, $0xb8;
	[tilespmem:$0x1D000] =	vst v63  }
0x58: {  	_ =	swait.ge [sflag:s19], $0x4000  }
0x59: {  	[sflag:s19] =	ssyncset.done $0x0  }
0x5a: {  	s31 =	simm.s32 $0x2800;
	[sflag:s19] =	ssyncadd.s32 $0xFFFFC000  }
0x5b: {  	[spmem:s2] =	stream.indirect.scatter.add.f32 [tilespmem:s15], [sflag:$0x2], $0x80, s31, s18, $0xb8;
	[tilespmem:$0x1D000] =	vst v63  }
0x5c: {  	_ =	swait.ge [sflag:s16], $0x4000  }
0x5d: {  	s22 =	simm.s32 $0x400;
	s21 =	simm.s32 $0x200;
	[sflag:s16] =	ssyncset.done $0x0  }
.LBB2_6:
0x5e: {  	s23 =	sshra.s32 s21, $0x2  }
0x5f: {  	[sflag:s16] =	ssyncadd.s32 $0xFFFFC000;
	s21 =	smov.u32 s22;
	s24 =	sadd.s32 $0x200, s22  }
0x60: {  	[tilespmem:s15], [sflag:$0x1] =	stream.indirect.gather [hbm4b:s4+s18], $0x80, s23, s18, $0xb8;
	[tilespmem:$0x1D000] =	vst v63  }
0x61: {  	p1 =	sne.s32 s22, $0x9E00;
	_ =	swait.ge [sflag:s19], $0x4000  }
.Ltmp2:
0x62: {  	[sflag:s19] =	ssyncset.done $0x0;
	(pc) =	sbr.rel @p1 .LBB2_6-.Ltmp2, $4  }
0x63: {  	s22 =	sadd.s32 $0x2800, s23;
	[sflag:s19] =	ssyncadd.s32 $0xFFFFC000  }
0x64: {  	[spmem:s2] =	stream.indirect.scatter.add.f32 [tilespmem:s15], [sflag:$0x2], $0x80, s22, s18, $0xb8;
	[tilespmem:$0x1D000] =	vst v63  }
0x65: {  	_ =	swait.ge [sflag:s16], $0x4000  }
0x66: {  	s22 =	smov.u32 s24;
	[sflag:s16] =	ssyncset.done $0x0  }
0x67: {  	s21 =	sshra.s32 s21, $0x2;
	[sflag:s16] =	ssyncadd.s32 $0xFFFFC000  }
0x68: {  	[tilespmem:s15], [sflag:$0x1] =	stream.indirect.gather [hbm4b:s4+s18], $0x80, s21, s18, $0xb8;
	[tilespmem:$0x1D000] =	vst v63  }
0x69: {  	_ =	swait.ge [sflag:s19], $0x4000  }
0x6a: {  	[sflag:s19] =	ssyncset.done $0x0  }
0x6b: {  	s21 =	sadd.s32 $0x2800, s21;
	[sflag:s19] =	ssyncadd.s32 $0xFFFFC000  }
0x6c: {  	[spmem:s2] =	stream.indirect.scatter.add.f32 [tilespmem:s15], [sflag:$0x2], $0x80, s21, s18, $0xb8;
	[tilespmem:$0x1D000] =	vst v63  }
0x6d: {  	_ =	swait.ge [sflag:s16], $0x4000  }
0x6e: {  	[sflag:s16] =	ssyncset.done $0x0  }
0x6f: {  	[sflag:s16] =	ssyncadd.s32 $0xFFFFC000  }
0x70: {  	s21 =	simm.s32 @p0 $0x1FC2;
	[bflag:$0x0] =	sbarrier.arrive $0xFFFF  }
0x71: {  	[hbm:s13], [sflag:s21] =	dma.local @p0 [spmem:s20], $0x1900  }
0x72: {  	s21 =	simm.s32 @p0 $0x2  }
0x73: {  	s3 =	sadd.s32 $0x1, s3;
	_ =	swait.ge @p0 [sflag:s21], $0x1900  }
0x74: {  	s22 =	sshll.u32 @!p0 s1, $0x6;
	p1 =	sne.s32 s3, s14;
	[sflag:s21] =	ssyncset.done @p0 $0x0  }
0x75: {  	[sflag:s21] =	ssyncadd.s32 @p0 $0xFFFFE700;
	s21 =	sor.u32 @!p0 $0x1C02, s22;
	s22 =	sshrl.u32 @!p0 s5, $0x3  }
0x76: {  	[hbm:s12], [sflag:s21] =	dma.local @!p0 [spmem:s22], $0x2800  }
.Ltmp3:
0x77: {  	_ = 	snop;
	(pc) =	sbr.rel @p1 .LBB2_1-.Ltmp3, $4  }
0x78: {  	s21 =	simm.s32 @!p0 $0x2  }
0x79: {  	_ =	swait.ge @!p0 [sflag:s21], $0x2800  }
0x7a: {  	[sflag:s21] =	ssyncset.done @!p0 $0x0  }
0x7b: {  	[sflag:s21] =	ssyncadd.s32 @!p0 $0xFFFFD800  }
0x7c: {  	_ =	sfence.sel $0x180000  }
0x7d: {  	[bflag:$0x0] =	sbarrier.arrive $0xFFFF  }
0x7e: {  	p0 =	sne.s32 s1, $0x0;
	_ =	strace $0x9000004D  }
0x7f: {  	s0 =	sadd.s32 @!p0 $0x100000, s0;
	[bflag:$0x2] =	sbarrier.arrive $0xFFFF  }
0x80: {  	[sflag:s0] =	ssyncadd.tile.s32 @!p0 $0x1;
	_ =	shalt  }
.Lfunc_end2:
_tile_overlayer_lowered:
.L_overlay_start_2:
0x81: {  	(tag) =	ssettag $0x2  }
0x82: {  	s0 =	rddreg [dreg:$0x0];
	s2 =	stileid.u32  }
0x83: {  	s1 =	rddreg [dreg:$0x1];
	p0 =	sne.s32 s2, $0x0  }
0x84: {  	s3 =	rddreg [dreg:$0x2];
	[bflag:$0x3] =	sbarrier.arrive $0xFFFF;
	s2 =	simm.s32 @!p0 $0x1C02  }
0x85: {  	[timem:s3], [sflag:s2] =	dma.local @!p0 [hbm:s0], s1  }
0x86: {  	s0 =	simm.s32 @!p0 $0x2  }
0x87: {  	_ =	swait.ge @!p0 [sflag:s0], s1  }
0x88: {  	s1 =	ssub.s32 @!p0 $0x0, s1;
	[sflag:s0] =	ssyncset.done @!p0 $0x0  }
0x89: {  	[sflag:s0] =	ssyncadd.s32 @!p0 s1  }
0x8a: {  	[bflag:$0x3] =	sbarrier.arrive $0xFFFF  }
0x8b: {  	_ =	shalt  }

// kernel: kernel.9.cloned.1.call-start
scs
__scs_entry_jumppad:
0x0: {  	(pc) =	sbr.rel $0x88, $3  }
0x1: {  	(tag) =	ssettag $0x0;
	lr =	simm.s32 $0x1  }
0x2: {  	[smem:$0x3F97] =	sst lr;
	_ =	strace $0xD0000000  }
0x3: {  	_ = 	snop  }
0x4: {  	_ = 	snop  }
0x5: {  	_ = 	snop  }
0x6: {  	_ = 	snop  }
0x7: {  	_ = 	snop  }
__scs_overlays_trampoline_lowered:
0x8: {  	[smem:$0x3FA6] =	sst s0  }
0x9: {  	[smem:$0x3FA7] =	sst s1  }
0xa: {  	[smem:$0x3FA8] =	sst s2  }
0xb: {  	[smem:$0x3FA9] =	sst s3  }
0xc: {  	[smem:$0x3FAA] =	sst s4  }
0xd: {  	[smem:$0x3FAB] =	sst s5  }
0xe: {  	[smem:$0x3FAC] =	sst s6  }
0xf: {  	[smem:$0x3FAD] =	sst s7  }
0x10: {  	[smem:$0x3FAE] =	sst s8  }
0x11: {  	[smem:$0x3FAF] =	sst s9;
	s0 =	simm.s32 @!p0 $0x0  }
0x12: {  	s1 =	sld [smem:$0x3F95];
	s0 =	simm.s32 @p0 $0x1  }
0x13: {  	[smem:$0x3FB0] =	sst s0;
	s0 =	simm.s32 @!p1 $0x0  }
0x14: {  	s2 =	sld [smem:$0x3F94];
	s0 =	simm.s32 @p1 $0x1  }
0x15: {  	[smem:$0x3FB1] =	sst s0;
	s0 =	simm.s32 @!p2 $0x0  }
0x16: {  	s3 =	sld [smem:$0x3FDB];
	s0 =	simm.s32 @p2 $0x1  }
0x17: {  	s4 =	simm.s32 $0x1BF5;
	[smem:$0x3FB3] =	sst s0  }
0x18: {  	s0 =	sld [smem:$0x3F96];
	_ =	swait.ge [sflag:s4], $0x0  }
0x19: {  	s7 =	sld [smem:$0x3F97]  }
0x1a: {  	s8 =	sadd.s32 $0xFFFFE003, lr  }
0x1b: {  	s9 =	sadd.s32 $0xFFFFFEF7, lr;
	s5 =	simm.s32 $0xFFFFFFFF;
	p2 =	slt.u32 s8, $0xFFFFF086  }
0x1c: {  	p1 =	slt.u32 s9, $0xF7A;
	s5 =	simm.s32 @!p2 $0x0  }
0x1d: {  	s5 =	simm.s32 @p1 $0x1;
	p0 =	seq.s32 s7, s2  }
0x1e: {  	s7 =	smul.u32 @!p0 $0xF7A, s2;
	p2 =	seq.s32 @!p0 s5, $0x0  }
0x1f: {  	s9 =	smul.u32 $0xF7A, s1;
	s8 =	simm.s32 @!p0 $0x1BF5;
	p2 =	por !p2, p0  }
0x20: {  	[sflag:s8] =	ssyncset.s32 @!p0 $0xFFFFF086;
	s6 =	sadd.s32 @!p0 s3, s7;
	s7 =	simm.s32 @!p0 $0x108  }
0x21: {  	s3 =	sadd.s32 s3, s9;
	s6 =	sadd.s32 @!p0 $0x88, s6;
	s7 =	simm.s32 @p2 $0x1082  }
0x22: {  	[simem:s7], [sflag:s8] =	dma.local @!p0 [hbm:s6], $0xF7A  }
0x23: {  	s9 =	sor.u32 $0xD0000000, s2;
	s6 =	simm.s32 $0x108;
	_ =	swait.ge @!p0 [sflag:s8], $0x0  }
0x24: {  	s3 =	sadd.s32 $0x88, s3;
	s6 =	simm.s32 @!p1 $0x1082;
	[sflag:s4] =	ssyncset.s32 $0xFFFFF086  }
0x25: {  	[simem:s6], [sflag:s4] =	dma.local [hbm:s3], $0xF7A  }
0x26: {  	[smem:$0x3F97] =	sst s1;
	(tag) =	ssettag s2;
	_ =	strace s9  }
0x27: {  	s1 =	sld [smem:$0x3FA7]  }
0x28: {  	s2 =	sld [smem:$0x3FA8]  }
0x29: {  	s4 =	sld [smem:$0x3FAA]  }
0x2a: {  	p0 =	seq.s32 s5, $0x0;
	s5 =	sld [smem:$0x3FAB]  }
0x2b: {  	s6 =	sld [smem:$0x3FAC]  }
0x2c: {  	s7 =	sld [smem:$0x3FAD]  }
0x2d: {  	s3 =	simm.s32 $0x108;
	s8 =	sld [smem:$0x3FAE]  }
0x2e: {  	s3 =	simm.s32 @!p0 $0x1082;
	s9 =	sld [smem:$0x3FAF]  }
0x2f: {  	lr =	sadd.s32 s0, s3;
	s0 =	sld [smem:$0x3FA6]  }
0x30: {  	s3 =	sld [smem:$0x3FA9]  }
0x31: {  	[smem:$0x3FB2] =	sst s10  }
0x32: {  	s10 =	sld [smem:$0x3FB0];
	_ =	sdelay $0x3  }
0x33: {  	p0 =	seq.s32 s10, $0x1;
	s10 =	sld [smem:$0x3FB2];
	_ =	sdelay $0x3  }
0x34: {  	[smem:$0x3FB2] =	sst s10  }
0x35: {  	s10 =	sld [smem:$0x3FB1];
	_ =	sdelay $0x3  }
0x36: {  	p1 =	seq.s32 s10, $0x1;
	s10 =	sld [smem:$0x3FB2];
	_ =	sdelay $0x3  }
0x37: {  	[smem:$0x3FB2] =	sst s10  }
0x38: {  	s10 =	sld [smem:$0x3FB3]  }
0x39: {  	_ = 	snop;
	(pc) =	sbr.ind lr, $3  }
0x3a: {  	_ = 	snop  }
0x3b: {  	_ = 	snop  }
0x3c: {  	p2 =	seq.s32 s10, $0x1;
	s10 =	sld [smem:$0x3FB2]  }
0x3d: {  	_ =	shalt  }
0x3e: {  	_ =	shalt  }
0x3f: {  	_ =	shalt  }
0x40: {  	_ =	shalt  }
0x41: {  	_ =	shalt  }
0x42: {  	_ =	shalt  }
0x43: {  	_ =	shalt  }
0x44: {  	_ =	shalt  }
0x45: {  	_ =	shalt  }
0x46: {  	_ =	shalt  }
0x47: {  	_ =	shalt  }
0x48: {  	_ =	shalt  }
0x49: {  	_ =	shalt  }
0x4a: {  	_ =	shalt  }
0x4b: {  	_ =	shalt  }
0x4c: {  	_ =	shalt  }
0x4d: {  	_ =	shalt  }
0x4e: {  	_ =	shalt  }
0x4f: {  	_ =	shalt  }
0x50: {  	_ =	shalt  }
0x51: {  	_ =	shalt  }
0x52: {  	_ =	shalt  }
0x53: {  	_ =	shalt  }
0x54: {  	_ =	shalt  }
0x55: {  	_ =	shalt  }
0x56: {  	_ =	shalt  }
0x57: {  	_ =	shalt  }
0x58: {  	_ =	shalt  }
0x59: {  	_ =	shalt  }
0x5a: {  	_ =	shalt  }
0x5b: {  	_ =	shalt  }
0x5c: {  	_ =	shalt  }
0x5d: {  	_ =	shalt  }
0x5e: {  	_ =	shalt  }
0x5f: {  	_ =	shalt  }
0x60: {  	_ =	shalt  }
0x61: {  	_ =	shalt  }
0x62: {  	_ =	shalt  }
0x63: {  	_ =	shalt  }
0x64: {  	_ =	shalt  }
0x65: {  	_ =	shalt  }
0x66: {  	_ =	shalt  }
0x67: {  	_ =	shalt  }
0x68: {  	_ =	shalt  }
0x69: {  	_ =	shalt  }
0x6a: {  	_ =	shalt  }
0x6b: {  	_ =	shalt  }
0x6c: {  	_ =	shalt  }
0x6d: {  	_ =	shalt  }
0x6e: {  	_ =	shalt  }
0x6f: {  	_ =	shalt  }
0x70: {  	_ =	shalt  }
0x71: {  	_ =	shalt  }
0x72: {  	_ =	shalt  }
0x73: {  	_ =	shalt  }
0x74: {  	_ =	shalt  }
0x75: {  	_ =	shalt  }
0x76: {  	_ =	shalt  }
0x77: {  	_ =	shalt  }
0x78: {  	_ =	shalt  }
0x79: {  	_ =	shalt  }
0x7a: {  	_ =	shalt  }
0x7b: {  	_ =	shalt  }
0x7c: {  	_ =	shalt  }
0x7d: {  	_ =	shalt  }
0x7e: {  	_ =	shalt  }
0x7f: {  	_ =	shalt  }
0x80: {  	_ =	shalt  }
0x81: {  	_ =	shalt  }
0x82: {  	_ =	shalt  }
0x83: {  	_ =	shalt  }
0x84: {  	_ =	shalt  }
0x85: {  	_ =	shalt  }
0x86: {  	_ =	shalt  }
0x87: {  	_ =	shalt  }
.Lfunc_end0:
.L_simem_size_0:
called_computation_lowered:
.L_overlay_start_0:
0x88: {  	s2 =	sld [smem:$0x3FD9]  }
0x89: {  	s3 =	sld [smem:$0x3FFE];
	_ =	sdelay $0x1  }
0x8a: {  	s1 =	srdreg.scid  }
0x8b: {  	s0 =	sand.u32 $0x1, s1  }
0x8c: {  	s14 =	sshll.u32 s0, $0xA;
	s2 =	sadd.s32 s3, s2  }
0x8d: {  	s2 =	sadd.s32 s2, s14  }
0x8e: {  	[smem:$0x3FBE] =	sst s2  }
0x8f: {  	_ = 	snop  }
0x90: {  	s2 =	sld [smem:$0x3FD0];
	_ =	sdelay $0x2  }
0x91: {  	s15 =	simm.s32 $0xA;
	s4 =	simm.s32 $0x10  }
0x92: {  	[smem:s4], [sflag:s15] =	dma.local [hbm:s2], $0x1  }
0x93: {  	_ =	swait.eq [sflag:s15], $0x1  }
0x94: {  	[sflag:s15] =	ssyncset.done $0x0  }
0x95: {  	[sflag:s15] =	ssyncadd.s32 $0xFFFFFFFF  }
0x96: {  	s16 =	sld [smem:$0x10];
	(tm) =	ssettm $0x1  }
0x97: {  	s17 =	sld [smem:$0x3FFB];
	_ =	sdelay $0x3  }
0x98: {  	_ =	strace s17  }
0x99: {  	s3 =	sld [smem:$0x3FFC];
	_ =	sdelay $0x3  }
0x9a: {  	_ =	strace s3  }
0x9b: {  	s3 =	sld [smem:$0x3FFD];
	_ =	sdelay $0x3  }
0x9c: {  	_ =	strace s3  }
0x9d: {  	_ =	strace $0x8FFFFFFF  }
0x9e: {  	s18 =	sld [smem:$0x3FDB];
	_ =	sdelay $0x1  }
0x9f: {  	s19 =	simm.s32 $_scs_section_size  }
0xa0: {  	s5 =	simm.s32 $_size__tile_overlayer_lowered;
	s6 =	simm.s32 $_tile_overlayer_lowered  }
0xa1: {  	s22 =	simm.s32 $0x1BFF;
	s21 =	sshll.u32 s6, $0x1;
	s3 =	sadd.s32 s19, s18  }
0xa2: {  	s7 =	simm.s32 $0x0;
	s20 =	sshll.u32 s5, $0x1;
	s5 =	sadd.s32 s21, s3  }
0xa3: {  	[timem:s7], [sflag:s22] =	dma.local [hbm:s5], s20  }
0xa4: {  	_ =	swait.ge [sflag:s22], s20  }
0xa5: {  	s4 =	ssub.s32 $0x0, s20;
	[sflag:s22] =	ssyncset.done $0x0  }
0xa6: {  	[sflag:s22] =	ssyncadd.s32 s4;
	_ =	sdelay $0x1  }
0xa7: {  	s23 =	simm.s32 $0x1B8B  }
0xa8: {  	_ =	swait.ge [sflag:s23], $0x1  }
0xa9: {  	[sflag:s23] =	ssyncset.done $0x0  }
0xaa: {  	s25 =	simm.s32 $0x1B8E;
	s24 =	sld [smem:$0x3FFE];
	[sflag:s23] =	ssyncadd.s32 $0xFFFFFFFF  }
0xab: {  	s26 =	simm.s32 $execute0_lowered;
	[smem:$0x3FD2] =	sst s25  }
0xac: {  	s5 =	sshll.u32 s26, $0x1;
	_ =	strace $0x80000046;
	[dreg:$0x1] =	wrdreg $0xFFFFFFFF  }
0xad: {  	s28 =	simm.s32 $_size_execute0_lowered;
	s3 =	sadd.s32 s3, s5;
	[dreg:$0x0] =	wrdreg $0x0  }
0xae: {  	s5 =	sshll.u32 s28, $0x1;
	[dreg:$0x2] =	wrdreg s3  }
0xaf: {  	[dreg:$0x3] =	wrdreg s5  }
0xb0: {  	[dreg:$0x4] =	wrdreg $0xC0  }
0xb1: {  	_ =	task [dreg:s7], $0x5FFFF  }
0xb2: {  	[dreg:$0x1] =	wrdreg $0xFFFFFFFF  }
0xb3: {  	[dreg:$0x0] =	wrdreg $0x60  }
0xb4: {  	[dreg:$0x2] =	wrdreg s16  }
0xb5: {  	[dreg:$0x3] =	wrdreg s24  }
0xb6: {  	[dreg:$0x4] =	wrdreg $0x94000  }
0xb7: {  	[dreg:$0x5] =	wrdreg $0x9  }
0xb8: {  	_ =	task.clear_ibuf [dreg:s7], $0x6FFFF;
	_ =	strace $0x90000046  }
0xb9: {  	s29 =	simm.s32 $0x9;
	_ =	strace $0x80000048  }
0xba: {  	_ =	swait.ge [sflag:s29], $0x1  }
0xbb: {  	[sflag:s29] =	ssyncadd.s32 $0xFFFFFFFF  }
0xbc: {  	_ =	strace $0x90000048  }
0xbd: {  	_ =	sfence  }
0xbe: {  	s30 =	sld [smem:$0x0];
	_ =	sdelay $0x2  }
0xbf: {  	s31 =	sshll.u32 s1, $0xD;
	s1 =	sshrl.u32 s1, $0x2  }
0xc0: {  	s3 =	sand.u32 $0x4000, s31;
	s1 =	sadd.s32 s1, s30  }
0xc1: {  	s0 =	sor.u32 s3, s0;
	s1 =	sshll.u32 s1, $0x11  }
0xc2: {  	s0 =	sor.u32 s1, s0  }
0xc3: {  	s0 =	sadd.s32 $0x8F2B, s0  }
0xc4: {  	[sflag:s0] =	ssyncadd.remote.s32 $0x1  }
0xc5: {  	_ =	sfence.sel $0xFFFF  }
0xc6: {  	[dreg:$0x0] =	wrdreg $0xFFFFFFFF;
	(pc) =	sbr.abs _section_cstart, $3  }
0xc7: {  	[dreg:$0x1] =	wrdreg $0xFFFFFFFF  }
0xc8: {  	_ =	task.clear_ibuf [dreg:s7], $0x2FFFF;
	_ =	strace $0x9FFFFFFF  }
0xc9: {  	(tm) =	ssettm $0x7FFFFFFF  }
tec
execute0_lowered:
.L_overlay_start_1:
0x0: {  	(tag) =	ssettag $0x1  }
0x1: {  	s9 =	rddreg [dreg:$0x0]  }
0x2: {  	s4 =	rddreg [dreg:$0x1]  }
0x3: {  	s2 =	rddreg [dreg:$0x2]  }
0x4: {  	s0 =	rddreg [dreg:$0x3];
	s5 =	srdreg.scid  }
0x5: {  	s3 =	simm.s32 $0x0;
	s1 =	stileid.u32;
	s16 =	simm.s32 $0x1400  }
0x6: {  	s5 =	sand.u32 $0x1, s5;
	[smem:$0x7FF] =	sst s3;
	s7 =	smul.u32 $0x50000, s1  }
0x7: {  	s11 =	sadd.s32 $0x2E00, s4;
	s8 =	smul.u32 $0x14000, s1;
	s17 =	sadd.s32 $0x12C000, s2  }
0x8: {  	p0 =	seq.s32 s1, $0xF;
	s6 =	ssub.s32 $0x2, s5;
	_ =	strace $0x80000047  }
0x9: {  	s10 =	smul.u32 $0x138800, s5;
	s31 =	sshll.u32 s5, $0x4;
	s18 =	sshll.u32 @!p0 s1, $0x6  }
0xa: {  	s17 =	sshrl.u32 @p0 s17, $0x3;
	s29 =	sshrl.u32 s6, $0x1;
	s30 =	sshrl.u32 s7, $0x2  }
0xb: {  	s13 =	sor.u32 s1, s31;
	s18 =	sor.u32 @!p0 $0x1C01, s18;
	s12 =	ssub.s32 s6, s29  }
0xc: {  	s4 =	sadd.s32 s30, s2;
	s13 =	smul.u32 $0x280, s13;
	s14 =	sadd.s32 s8, s10  }
0xd: {  	s15 =	sshrl.u32 s10, $0x3;
	s5 =	sadd.s32 $0x4000, s4;
	s6 =	sadd.s32 $0x8000, s4  }
0xe: {  	s7 =	sadd.s32 $0xC000, s4;
	s8 =	sadd.s32 $0x10000, s4;
	s14 =	sshrl.u32 s14, $0x3  }
0xf: {  	s12 =	smax.u32 s12, $0x1;
	s19 =	sshrl.u32 @!p0 s4, $0x3;
	s9 =	sadd.s32 s9, s13  }
0x10: {  	s10 =	sadd.s32 s11, s14;
	s11 =	sadd.s32 s11, s15;
	s13 =	simm.s32 $0x5400  }
0x11: {  	v0 =	vimm.f32 $0.0e+00;
	v1 =	vimm.f32 $1.000000000e+00;
	s14 =	simm.s32 $0x1;
	s15 =	simm.s32 $0x80;
	s11 =	sadd.s32 $0x25800, s11  }
.LBB2_1:
0x12: {  	s20 =	simm.s32 $0x200;
	s21 =	simm.s32 $0x0  }
.LBB2_2:
0x13: {  	p1 =	sne.s32 s20, $0xFE00;
	[tilespmem:s21+$0x5400] =	vst v0;
	s22 =	smov.u32 s20;
	s20 =	sadd.s32 $0x200, s20  }
.Ltmp0:
0x14: {  	[tilespmem:s21+$0x1400] =	vst v1;
	(pc) =	sbr.rel @p1 .LBB2_2-.Ltmp0, $2  }
0x15: {  	_ =	sdelay $0x2  }
0x16: {  	s21 =	sshra.s32 s22, $0x2  }
0x17: {  	[tilespmem:s21+$0x5400] =	vst v0  }
0x18: {  	[tilespmem:s21+$0x1400] =	vst v1  }
0x19: {  	[spmem:s4] =	stream.linear.scatter [tilespmem:s13], [sflag:$0x1], $0x4000, $0x38;
	[tilespmem:$0xBC00] =	vst v63  }
0x1a: {  	_ =	swait.ge [sflag:s14], $0x4000  }
0x1b: {  	[sflag:s14] =	ssyncset.done $0x0  }
0x1c: {  	[sflag:s14] =	ssyncadd.s32 $0xFFFFC000  }
0x1d: {  	[spmem:s5] =	stream.linear.scatter [tilespmem:s13], [sflag:$0x1], $0x4000, $0x38;
	[tilespmem:$0xBC00] =	vst v63  }
0x1e: {  	_ =	swait.ge [sflag:s14], $0x4000  }
0x1f: {  	[sflag:s14] =	ssyncset.done $0x0  }
0x20: {  	[sflag:s14] =	ssyncadd.s32 $0xFFFFC000  }
0x21: {  	[spmem:s6] =	stream.linear.scatter [tilespmem:s13], [sflag:$0x1], $0x4000, $0x38;
	[tilespmem:$0xBC00] =	vst v63  }
0x22: {  	_ =	swait.ge [sflag:s14], $0x4000  }
0x23: {  	[sflag:s14] =	ssyncset.done $0x0  }
0x24: {  	[sflag:s14] =	ssyncadd.s32 $0xFFFFC000  }
0x25: {  	[spmem:s7] =	stream.linear.scatter [tilespmem:s13], [sflag:$0x1], $0x4000, $0x38;
	[tilespmem:$0xBC00] =	vst v63  }
0x26: {  	_ =	swait.ge [sflag:s14], $0x4000  }
0x27: {  	[sflag:s14] =	ssyncset.done $0x0  }
0x28: {  	[sflag:s14] =	ssyncadd.s32 $0xFFFFC000  }
0x29: {  	[spmem:s8] =	stream.linear.scatter [tilespmem:s13], [sflag:$0x1], $0x4000, $0x38;
	[tilespmem:$0xBC00] =	vst v63  }
0x2a: {  	_ =	swait.ge [sflag:s14], $0x4000  }
0x2b: {  	[sflag:s14] =	ssyncset.done $0x0  }
0x2c: {  	s20 =	simm.s32 $0x0;
	[sflag:s14] =	ssyncadd.s32 $0xFFFFC000  }
0x2d: {  	[tilespmem:s20], [sflag:$0x1] =	stream.linear.gather [hbm4b:s9+s20], $0x1400, $0x38;
	[tilespmem:$0xBC00] =	vst v63  }
0x2e: {  	_ =	swait.ge [sflag:s14], $0x1400  }
0x2f: {  	[sflag:s14] =	ssyncset.done $0x0  }
0x30: {  	[sflag:s14] =	ssyncadd.s32 $0xFFFFEC00  }
0x31: {  	s31 =	simm.s32 $0x0;
	[bflag:$0x0] =	sbarrier.arrive $0xFFFF  }
0x32: {  	[spmem:s2] =	stream.indirect.scatter.add.f32 [tilespmem:s16], [sflag:$0x1], $0x10, s31, s15, $0xb8;
	[tilespmem:$0xBC00] =	vst v63  }
0x33: {  	_ =	swait.ge [sflag:s14], $0x800  }
0x34: {  	s20 =	simm.s32 $0x200;
	[sflag:s14] =	ssyncset.done $0x0  }
.LBB2_4:
0x35: {  	s21 =	sshra.s32 s20, $0x2;
	[sflag:s14] =	ssyncadd.s32 $0xFFFFF800;
	p1 =	sne.s32 s20, $0x4E00  }
0x36: {  	[spmem:s2] =	stream.indirect.scatter.add.f32 [tilespmem:s16], [sflag:$0x1], $0x10, s21, s15, $0xb8;
	[tilespmem:$0xBC00] =	vst v63  }
.Ltmp1:
0x37: {  	_ = 	snop;
	(pc) =	sbr.rel @p1 .LBB2_4-.Ltmp1, $4  }
0x38: {  	_ = 	snop  }
0x39: {  	s20 =	sadd.s32 $0x200, s20  }
0x3a: {  	_ =	swait.ge [sflag:s14], $0x800  }
0x3b: {  	[sflag:s14] =	ssyncset.done $0x0  }
0x3c: {  	[sflag:s14] =	ssyncadd.s32 $0xFFFFF800  }
0x3d: {  	s20 =	simm.s32 @p0 $0x1FC1;
	[bflag:$0x0] =	sbarrier.arrive $0xFFFF  }
0x3e: {  	[hbm:s11], [sflag:s20] =	dma.local @p0 [spmem:s17], $0x1900  }
0x3f: {  	s20 =	simm.s32 @p0 $0x1  }
0x40: {  	s3 =	sadd.s32 $0x1, s3;
	_ =	swait.ge @p0 [sflag:s20], $0x1900  }
0x41: {  	p1 =	sne.s32 s3, s12;
	[sflag:s20] =	ssyncset.done @p0 $0x0  }
.Ltmp2:
0x42: {  	[sflag:s20] =	ssyncadd.s32 @p0 $0xFFFFE700;
	s20 =	simm.s32 @!p0 $0x1;
	(pc) =	sbr.rel @p1 .LBB2_1-.Ltmp2, $4  }
0x43: {  	[hbm:s10], [sflag:s18] =	dma.local @!p0 [spmem:s19], $0x2800  }
0x44: {  	_ =	swait.ge @!p0 [sflag:s20], $0x2800  }
0x45: {  	[sflag:s20] =	ssyncset.done @!p0 $0x0  }
0x46: {  	[sflag:s20] =	ssyncadd.s32 @!p0 $0xFFFFD800  }
0x47: {  	_ =	sfence.sel $0x180000  }
0x48: {  	[bflag:$0x0] =	sbarrier.arrive $0xFFFF  }
0x49: {  	p0 =	sne.s32 s1, $0x0;
	_ =	strace $0x90000047  }
0x4a: {  	s0 =	sadd.s32 @!p0 $0x100000, s0;
	[bflag:$0x2] =	sbarrier.arrive $0xFFFF  }
0x4b: {  	[sflag:s0] =	ssyncadd.tile.s32 @!p0 $0x1;
	_ =	shalt  }
.Lfunc_end2:
_tile_overlayer_lowered:
.L_overlay_start_2:
0x4c: {  	(tag) =	ssettag $0x2  }
0x4d: {  	s0 =	rddreg [dreg:$0x0];
	s2 =	stileid.u32  }
0x4e: {  	s1 =	rddreg [dreg:$0x1];
	p0 =	sne.s32 s2, $0x0  }
0x4f: {  	s3 =	rddreg [dreg:$0x2];
	[bflag:$0x3] =	sbarrier.arrive $0xFFFF;
	s2 =	simm.s32 @!p0 $0x1C01  }
0x50: {  	[timem:s3], [sflag:s2] =	dma.local @!p0 [hbm:s0], s1  }
0x51: {  	s0 =	simm.s32 @!p0 $0x1  }
0x52: {  	_ =	swait.ge @!p0 [sflag:s0], s1  }
0x53: {  	s1 =	ssub.s32 @!p0 $0x0, s1;
	[sflag:s0] =	ssyncset.done @!p0 $0x0  }
0x54: {  	[sflag:s0] =	ssyncadd.s32 @!p0 s1  }
0x55: {  	[bflag:$0x3] =	sbarrier.arrive $0xFFFF  }
0x56: {  	_ =	shalt  }

</sc_bundles>
